<compile_context>
chip_gen: v7x
topology: tpu7x:2x2x1
jax: 0.10.2.dev20260603
libtpu: 0.0.44.dev20260713+nightly
codegen_flags: <defaults>
</compile_context>

<pallas_src>
import functools

import jax
import jax.numpy as jnp
from jax import lax
from jax.experimental import pallas as pl
from jax.experimental.pallas import tpu as pltpu
from jax.experimental.pallas import tpu_sc as plsc

_BETA = 128.0
_THRESH = 128.0

_NC = 2
_NSC = 16
_NW = _NC * _NSC
_LANES = 16


_LOG2E = 1.4426950408889634
_LN2 = 0.6931471805599453


def _softplus_b(x):
    u = jnp.minimum(x * (_BETA * _LOG2E), _THRESH * _LOG2E)
    p = jnp.exp2(u)
    l = jnp.log2(1.0 + p) * (_LN2 / _BETA)
    return jnp.where(x > (_THRESH / _BETA), x, l)


def _expert_mlp(nb, ns, x, w0_ref, b0_ref, wr_ref, br_ref, wout_ref):
    x = lax.dot_general(x, w0_ref[0], (((1,), (1,)), ((), ())),
                        preferred_element_type=jnp.float32) + b0_ref[0]
    for blk in range(nb):
        h = x
        for st in range(ns):
            k = blk * ns + st
            h = _softplus_b(h)
            mu = jnp.mean(h, axis=1, keepdims=True)
            m2 = jnp.mean(h * h, axis=1, keepdims=True)
            var = jnp.maximum(m2 - mu * mu, 0.0)
            h = (h - mu) * lax.rsqrt(var + 1e-5)
            h = lax.dot_general(h, wr_ref[0, k], (((1,), (1,)), ((), ())),
                                preferred_element_type=jnp.float32) + br_ref[0, k]
        x = h + x
    x = _softplus_b(x)
    return lax.dot_general(wout_ref[0], x, (((1,), (1,)), ((), ())),
                           preferred_element_type=jnp.float32)


def _mlp_body(nb, ns, d, half, se_ref, x_ref, w0_ref, b0_ref,
              wr_ref, br_ref, wout_ref, bout_ref, out_ref):
    i = pl.program_id(0)
    e = se_ref[i]
    y = _expert_mlp(nb, ns, x_ref[...], w0_ref, b0_ref, wr_ref, br_ref,
                    wout_ref)
    out_ref[0] = y + bout_ref[e, 0]


def _routing(species, e, n, b_blk, npad):
    sp = species.astype(jnp.int32)
    g = 256
    m = n // g
    oh3 = (sp.reshape(g, m)[:, :, None]
           == jnp.arange(e, dtype=jnp.int32)[None, None, :]).astype(jnp.float32)
    t_incl = jnp.tril(jnp.ones((m, m), jnp.float32))
    within = jnp.einsum("im,gme->gie", t_incl, oh3,
                        preferred_element_type=jnp.float32)
    tot = within[:, -1, :]
    s_excl = jnp.tril(jnp.ones((g, g), jnp.float32), k=-1)
    group_off = s_excl @ tot
    counts = jnp.sum(tot, axis=0).astype(jnp.int32)
    cap = ((counts + b_blk - 1) // b_blk) * b_blk
    pstart = jnp.concatenate([jnp.zeros((1,), jnp.int32),
                              jnp.cumsum(cap)[:-1].astype(jnp.int32)])
    val = (group_off[:, None, :] + within
           + pstart[None, None, :].astype(jnp.float32) - 1.0)
    dest = jnp.sum(oh3 * val, axis=2).reshape(n).astype(jnp.int32)
    nblk = npad // b_blk
    bend = ((pstart + cap) // b_blk).astype(jnp.int32)
    blk_id = jnp.arange(nblk, dtype=jnp.int32)
    block_expert = jnp.clip(
        jnp.sum((bend[None, :] <= blk_id[:, None]).astype(jnp.int32), axis=1),
        0, e - 1).astype(jnp.int32)
    return dest, block_expert


def _make_row_scatter(n, d, npad, chunk, nbuf=4):
    tok_w = n // _NW
    nchunk = tok_w // chunk
    mesh = plsc.VectorSubcoreMesh(core_axis_name="c", subcore_axis_name="s")

    scratch = [pltpu.VMEM((nchunk, chunk), jnp.int32)]
    scratch += [pltpu.VMEM((chunk, d), jnp.float32) for _ in range(nbuf)]
    scratch += [pltpu.SemaphoreType.DMA for _ in range(2 * nbuf)]

    @functools.partial(
        pl.kernel, mesh=mesh,
        out_type=jax.ShapeDtypeStruct((npad, d), jnp.float32),
        scratch_types=scratch,
    )
    def row_scatter(density_hbm, idx_hbm, xs_hbm, idx_v, *rest):
        bufs = rest[:nbuf]
        lsems = rest[nbuf:2 * nbuf]
        ssems = rest[2 * nbuf:]
        wid = lax.axis_index("s") * _NC + lax.axis_index("c")
        base = wid * tok_w
        pltpu.sync_copy(idx_hbm.at[wid], idx_v)
        loads = [None] * nbuf
        stores = [None] * nbuf
        loads[0] = pltpu.async_copy(
            density_hbm.at[pl.ds(base, chunk)], bufs[0], lsems[0])
        for c in range(nchunk):
            b = c % nbuf
            nxt = c + 1
            if nxt < nchunk:
                nb = nxt % nbuf
                if stores[nb] is not None:
                    stores[nb].wait()
                    stores[nb] = None
                loads[nb] = pltpu.async_copy(
                    density_hbm.at[pl.ds(base + nxt * chunk, chunk)],
                    bufs[nb], lsems[nb])
            loads[b].wait()
            stores[b] = pltpu.async_copy(
                bufs[b], xs_hbm.at[idx_v.at[c]], ssems[b])
        for s in stores:
            if s is not None:
                s.wait()

    return row_scatter


def _make_out_gather(n, npad):
    tok_w = n // _NW
    mesh = plsc.VectorSubcoreMesh(core_axis_name="c", subcore_axis_name="s")

    @functools.partial(
        pl.kernel, mesh=mesh,
        out_type=jax.ShapeDtypeStruct((n,), jnp.float32),
        scratch_types=[
            pltpu.VMEM((npad // 128, 128), jnp.float32),
            pltpu.VMEM((tok_w,), jnp.int32),
            pltpu.VMEM((tok_w,), jnp.float32),
        ],
        compiler_params=pltpu.CompilerParams(needs_layout_passes=False),
    )
    def out_gather(y_hbm, dest_hbm, out_hbm, y_v, idx_v, o_v):
        wid = lax.axis_index("s") * _NC + lax.axis_index("c")
        base = wid * tok_w
        pltpu.sync_copy(y_hbm, y_v)
        pltpu.sync_copy(dest_hbm.at[pl.ds(base, tok_w)], idx_v)

        def step(k, carry):
            off = pl.multiple_of(k * _LANES, _LANES)
            idx = idx_v[pl.ds(off, _LANES)]
            row = lax.shift_right_logical(idx, 7)
            col = lax.bitwise_and(idx, 127)
            o_v[pl.ds(off, _LANES)] = plsc.load_gather(y_v, [row, col])
            return carry

        lax.fori_loop(0, tok_w // _LANES, step, 0)
        pltpu.sync_copy(o_v, out_hbm.at[pl.ds(base, tok_w)])

    return out_gather


def kernel(density, species, W0, b0, ln_g, ln_b, Wr, br, Wout, bout):
    n, d = density.shape
    e = W0.shape[0]
    nb, ns = ln_g.shape[1], ln_g.shape[2]
    out_n = Wout.shape[2]

    b_blk = 1024
    npad = n + e * b_blk
    nblk = npad // b_blk
    chunk = 128

    dest, block_expert = _routing(species, e, n, b_blk, npad)

    xs = _make_row_scatter(n, d, npad, chunk)(
        density, dest.reshape(_NW, n // (_NW * chunk), chunk))

    wr4 = Wr.reshape(e, nb * ns, d, d)
    lng4 = ln_g.reshape(e, nb * ns, d)
    lnb4 = ln_b.reshape(e, nb * ns, d)
    wr_eff = wr4 * lng4[:, :, None, :]
    br_eff = (jnp.einsum("ksf,ksof->kso", lnb4, wr4,
                         preferred_element_type=jnp.float32)
              + br.reshape(e, nb * ns, d))

    grid_spec = pltpu.PrefetchScalarGridSpec(
        num_scalar_prefetch=1,
        grid=(nblk,),
        in_specs=[
            pl.BlockSpec((b_blk, d), lambda i, s: (i, 0)),
            pl.BlockSpec((1, d, d), lambda i, s: (s[i], 0, 0)),
            pl.BlockSpec((1, 1, d), lambda i, s: (s[i], 0, 0)),
            pl.BlockSpec((1, nb * ns, d, d), lambda i, s: (s[i], 0, 0, 0)),
            pl.BlockSpec((1, nb * ns, d), lambda i, s: (s[i], 0, 0)),
            pl.BlockSpec((1, out_n, d), lambda i, s: (s[i], 0, 0)),
            pl.BlockSpec(memory_space=pltpu.SMEM),
        ],
        out_specs=pl.BlockSpec((1, out_n, b_blk), lambda i, s: (i, 0, 0)),
    )
    y = pl.pallas_call(
        functools.partial(_mlp_body, nb, ns, d, b_blk // 2),
        grid_spec=grid_spec,
        out_shape=jax.ShapeDtypeStruct((nblk, out_n, b_blk), jnp.float32),
        compiler_params=pltpu.CompilerParams(
            dimension_semantics=("arbitrary",)),
    )(block_expert, xs, W0, b0[:, None, :],
      wr_eff, br_eff, Wout.transpose(0, 2, 1), bout)

    out = _make_out_gather(n, npad)(y.reshape(npad // 128, 128), dest)
    return out.reshape(n, out_n)

# --- scband reference (transcript-rebuilt; emitter-appended) ---
"""Pipeline reference for scband-nnmod-31267361915408 (READ-ONLY COPY).

The authoritative reference and input builder live on the scoring server;
editing this copy changes nothing except your own understanding.
"""

import jax, jax.numpy as jnp
import numpy as np

E = 8      # number of element types (experts)
D = 128    # nl feature width (nl = [128, 128, 128] -> appended to [128, 128, 128, 128])
NB = 2     # nblock
NS = 2     # resblock inner steps (nhid-1 = 2)
N = 32768  # number of atoms / tokens
OUT = 1    # outputneuron
BETA = 128.0      # Softplus(nl[i-1], nl[i]) -> Softplus(beta=128, threshold=128)
THRESH = 128.0


def softplus_b(x):
    # torch.nn.Softplus with beta=128, threshold=128: linear when beta*x > threshold
    z = jnp.minimum(x * BETA, THRESH)
    return jnp.where(x * BETA > THRESH, x, jnp.log1p(jnp.exp(z)) / BETA)


def layernorm(h, g, b):
    mu = jnp.mean(h, axis=-1, keepdims=True)
    var = jnp.var(h, axis=-1, keepdims=True)
    return (h - mu) / jnp.sqrt(var + 1e-5) * g + b


def setup_inputs(seed: int = 0) -> dict:
    key = jax.random.key(seed)
    ks = jax.random.split(key, 8)
    density = jax.random.normal(ks[0], (N, D), dtype=jnp.float32)
    species = jax.random.randint(ks[1], (N,), 0, E)
    s = 1.0 / np.sqrt(D)
    # stacked per-expert parameters
    W0 = jax.random.normal(ks[2], (E, D, D), dtype=jnp.float32) * s          # first Linear(nl0, nl1), weight [out,in]
    b0 = jnp.zeros((E, D), dtype=jnp.float32)
    ln_g = jnp.ones((E, NB, NS, D), dtype=jnp.float32)                        # LayerNorm gains
    ln_b = jnp.zeros((E, NB, NS, D), dtype=jnp.float32)                       # LayerNorm biases
    Wr = jax.random.normal(ks[3], (E, NB, NS, D, D), dtype=jnp.float32) * s   # resblock Linears
    br = jnp.zeros((E, NB, NS, D), dtype=jnp.float32)
    Wout = jax.random.normal(ks[4], (E, D, OUT), dtype=jnp.float32) * s       # final Linear(nl[nhid], outputneuron)
    bout = jax.random.normal(ks[5], (E, OUT), dtype=jnp.float32) * s
    return {"density": density, "species": species, "W0": W0, "b0": b0,
            "ln_g": ln_g, "ln_b": ln_b, "Wr": Wr, "br": br, "Wout": Wout, "bout": bout}


def reference(density, species, W0, b0, ln_g, ln_b, Wr, br, Wout, bout):
    # NNMod.forward: route each atom (token) to the expert net of its species,
    # scatter per-expert outputs back into a dense [N, outputneuron] tensor.
    # Dense-equivalent formulation: each token belongs to exactly one expert,
    # so out = sum_e mask_e * expert_e(density).
    out = jnp.zeros((density.shape[0], OUT), dtype=density.dtype)
    for e in range(E):
        x = density @ W0[e].T + b0[e]
        for blk in range(NB):
            h = x
            for st in range(NS):
                h = softplus_b(h)
                h = layernorm(h, ln_g[e, blk, st], ln_b[e, blk, st])
                h = h @ Wr[e, blk, st].T + br[e, blk, st]
            x = h + x  # residual
        x = softplus_b(x)
        y = x @ Wout[e] + bout[e]
        mask = (species == e)[:, None].astype(density.dtype)
        out = out + mask * y
    return out

if __name__ == "__main__":
    import jax
    _d = setup_inputs()
    print(jax.jit(kernel)(*tuple(_d.values())))

</pallas_src>

<mosaic_0001>
#map = affine_map<(d0, d1) -> (0, 0)>
#map1 = affine_map<(d0, d1) -> (0, 0, 0)>
module attributes {stable_mosaic.version = 14 : i64} {
  func.func @row_scatter(%arg0: i32, %arg1: i32, %arg2: memref<32768x128xf32, #tpu.memory_space<hbm>>, %arg3: memref<32x8x128xi32, #tpu.memory_space<hbm>>, %arg4: memref<40960x128xf32, #tpu.memory_space<hbm>>, %arg5: memref<8x128xi32, #tpu.memory_space<vmem>>, %arg6: memref<128x128xf32, #tpu.memory_space<vmem>>, %arg7: memref<128x128xf32, #tpu.memory_space<vmem>>, %arg8: memref<128x128xf32, #tpu.memory_space<vmem>>, %arg9: memref<128x128xf32, #tpu.memory_space<vmem>>, %arg10: memref<!tpu.dma_semaphore, #tpu.memory_space<semaphore_mem>>, %arg11: memref<!tpu.dma_semaphore, #tpu.memory_space<semaphore_mem>>, %arg12: memref<!tpu.dma_semaphore, #tpu.memory_space<semaphore_mem>>, %arg13: memref<!tpu.dma_semaphore, #tpu.memory_space<semaphore_mem>>, %arg14: memref<!tpu.dma_semaphore, #tpu.memory_space<semaphore_mem>>, %arg15: memref<!tpu.dma_semaphore, #tpu.memory_space<semaphore_mem>>, %arg16: memref<!tpu.dma_semaphore, #tpu.memory_space<semaphore_mem>>, %arg17: memref<!tpu.dma_semaphore, #tpu.memory_space<semaphore_mem>>) attributes {dimension_semantics = [#tpu.dimension_semantics<core_parallel>, #tpu.dimension_semantics<subcore_parallel>], iteration_bounds = array<i64: 2, 16>, scalar_prefetch = 0 : i64, scratch_operands = 13 : i64, tpu.core_type = #tpu.core_type<sc_vector_subcore>, window_params = [{transform_indices = #map}, {transform_indices = #map1}, {transform_indices = #map}]} {
    %mul3A = arith.constant 2 : i32
    %mul3A_0 = arith.muli %arg1, %mul3A : i32
    %add3A = arith.addi %mul3A_0, %arg0 : i32
    %mul3A_1 = arith.constant 1024 : i32
    %mul3A_2 = arith.muli %add3A, %mul3A_1 : i32
    "tpu.region"() ({
      %run_scoped3A = tpu.sem_alloc : memref<!tpu.dma_semaphore, #tpu.memory_space<semaphore_mem>>
      %dma_start3A_191 = arith.constant 0 : i32
      %dma_start3A_192 = arith.constant 0 : i32
      %dma_start3A_193 = tpu.memref_slice %arg3[%add3A, %dma_start3A_191, %dma_start3A_192] : memref<32x8x128xi32, #tpu.memory_space<hbm>> -> memref<1x8x128xi32, #tpu.memory_space<hbm>>
      %dma_start3A_194 = tpu.memref_squeeze %dma_start3A_193 : memref<1x8x128xi32, #tpu.memory_space<hbm>> -> memref<8x128xi32, #tpu.memory_space<hbm>>
      %dma_start3A_195 = arith.constant 0 : i32
      %dma_start3A_196 = arith.constant 0 : i32
      %dma_start3A_197 = tpu.memref_slice %arg3[%add3A, %dma_start3A_195, %dma_start3A_196] : memref<32x8x128xi32, #tpu.memory_space<hbm>> -> memref<1x8x128xi32, #tpu.memory_space<hbm>>
      %dma_start3A_198 = tpu.memref_squeeze %dma_start3A_197 : memref<1x8x128xi32, #tpu.memory_space<hbm>> -> memref<8x128xi32, #tpu.memory_space<hbm>>
      tpu.enqueue_dma source(%dma_start3A_198 : memref<8x128xi32, #tpu.memory_space<hbm>>) target(%arg5 : memref<8x128xi32, #tpu.memory_space<vmem>>) target_semaphore(%run_scoped3A : memref<!tpu.dma_semaphore, #tpu.memory_space<semaphore_mem>>)
      %dma_wait3A_199 = arith.constant 0 : i32
      %dma_wait3A_200 = arith.constant 0 : i32
      %dma_wait3A_201 = tpu.memref_slice %arg3[%add3A, %dma_wait3A_199, %dma_wait3A_200] : memref<32x8x128xi32, #tpu.memory_space<hbm>> -> memref<1x8x128xi32, #tpu.memory_space<hbm>>
      %dma_wait3A_202 = tpu.memref_squeeze %dma_wait3A_201 : memref<1x8x128xi32, #tpu.memory_space<hbm>> -> memref<8x128xi32, #tpu.memory_space<hbm>>
      %dma_wait3A_203 = arith.constant 0 : i32
      %dma_wait3A_204 = arith.constant 0 : i32
      %dma_wait3A_205 = tpu.memref_slice %arg3[%add3A, %dma_wait3A_203, %dma_wait3A_204] : memref<32x8x128xi32, #tpu.memory_space<hbm>> -> memref<1x8x128xi32, #tpu.memory_space<hbm>>
      %dma_wait3A_206 = tpu.memref_squeeze %dma_wait3A_205 : memref<1x8x128xi32, #tpu.memory_space<hbm>> -> memref<8x128xi32, #tpu.memory_space<hbm>>
      tpu.wait_dma2 semaphore(%run_scoped3A : memref<!tpu.dma_semaphore, #tpu.memory_space<semaphore_mem>>) src(%dma_wait3A_206 : memref<8x128xi32, #tpu.memory_space<hbm>>) dst(%arg5 : memref<8x128xi32, #tpu.memory_space<vmem>>)
      tpu.yield
    }) : () -> ()
    %dma_start3A = arith.constant 0 : i32
    %dma_start3A_3 = tpu.memref_slice %arg2[%mul3A_2, %dma_start3A] : memref<32768x128xf32, #tpu.memory_space<hbm>> -> memref<128x128xf32, #tpu.memory_space<hbm>>
    %dma_start3A_4 = arith.constant 0 : i32
    %dma_start3A_5 = tpu.memref_slice %arg2[%mul3A_2, %dma_start3A_4] : memref<32768x128xf32, #tpu.memory_space<hbm>> -> memref<128x128xf32, #tpu.memory_space<hbm>>
    tpu.enqueue_dma source(%dma_start3A_5 : memref<128x128xf32, #tpu.memory_space<hbm>>) target(%arg6 : memref<128x128xf32, #tpu.memory_space<vmem>>) target_semaphore(%arg10 : memref<!tpu.dma_semaphore, #tpu.memory_space<semaphore_mem>>)
    %add3A_6 = arith.constant 128 : i32
    %add3A_7 = arith.addi %mul3A_2, %add3A_6 : i32
    %dma_start3A_8 = arith.constant 0 : i32
    %dma_start3A_9 = tpu.memref_slice %arg2[%add3A_7, %dma_start3A_8] : memref<32768x128xf32, #tpu.memory_space<hbm>> -> memref<128x128xf32, #tpu.memory_space<hbm>>
    %dma_start3A_10 = arith.constant 0 : i32
    %dma_start3A_11 = tpu.memref_slice %arg2[%add3A_7, %dma_start3A_10] : memref<32768x128xf32, #tpu.memory_space<hbm>> -> memref<128x128xf32, #tpu.memory_space<hbm>>
    tpu.enqueue_dma source(%dma_start3A_11 : memref<128x128xf32, #tpu.memory_space<hbm>>) target(%arg7 : memref<128x128xf32, #tpu.memory_space<vmem>>) target_semaphore(%arg11 : memref<!tpu.dma_semaphore, #tpu.memory_space<semaphore_mem>>)
    %dma_wait3A = arith.constant 0 : i32
    %dma_wait3A_12 = tpu.memref_slice %arg2[%mul3A_2, %dma_wait3A] : memref<32768x128xf32, #tpu.memory_space<hbm>> -> memref<128x128xf32, #tpu.memory_space<hbm>>
    %dma_wait3A_13 = arith.constant 0 : i32
    %dma_wait3A_14 = tpu.memref_slice %arg2[%mul3A_2, %dma_wait3A_13] : memref<32768x128xf32, #tpu.memory_space<hbm>> -> memref<128x128xf32, #tpu.memory_space<hbm>>
    tpu.wait_dma2 semaphore(%arg10 : memref<!tpu.dma_semaphore, #tpu.memory_space<semaphore_mem>>) src(%dma_wait3A_14 : memref<128x128xf32, #tpu.memory_space<hbm>>) dst(%arg6 : memref<128x128xf32, #tpu.memory_space<vmem>>)
    %dma_start3A_15 = arith.constant 0 : i32
    %dma_start3A_16 = arith.constant 0 : i32
    %dma_start3A_17 = tpu.memref_slice %arg5[%dma_start3A_15, %dma_start3A_16] : memref<8x128xi32, #tpu.memory_space<vmem>> -> memref<1x128xi32, #tpu.memory_space<vmem>>
    %dma_start3A_18 = tpu.memref_squeeze %dma_start3A_17 : memref<1x128xi32, #tpu.memory_space<vmem>> -> memref<128xi32, #tpu.memory_space<vmem>>
    %dma_start3A_19 = arith.constant 0 : i32
    %dma_start3A_20 = arith.constant 0 : i32
    %dma_start3A_21 = tpu.memref_slice %arg4[%dma_start3A_19, %dma_start3A_20] : memref<40960x128xf32, #tpu.memory_space<hbm>> -> memref<40960x128xf32, #tpu.memory_space<hbm>>
    tpu.enqueue_indirect_dma source(%arg6 : memref<128x128xf32, #tpu.memory_space<vmem>>) target(%dma_start3A_21 : memref<40960x128xf32, #tpu.memory_space<hbm>>) offsets(%dma_start3A_18 : memref<128xi32, #tpu.memory_space<vmem>>) semaphore(%arg14 : memref<!tpu.dma_semaphore, #tpu.memory_space<semaphore_mem>>)
    %add3A_22 = arith.constant 256 : i32
    %add3A_23 = arith.addi %mul3A_2, %add3A_22 : i32
    %dma_start3A_24 = arith.constant 0 : i32
    %dma_start3A_25 = tpu.memref_slice %arg2[%add3A_23, %dma_start3A_24] : memref<32768x128xf32, #tpu.memory_space<hbm>> -> memref<128x128xf32, #tpu.memory_space<hbm>>
    %dma_start3A_26 = arith.constant 0 : i32
    %dma_start3A_27 = tpu.memref_slice %arg2[%add3A_23, %dma_start3A_26] : memref<32768x128xf32, #tpu.memory_space<hbm>> -> memref<128x128xf32, #tpu.memory_space<hbm>>
    tpu.enqueue_dma source(%dma_start3A_27 : memref<128x128xf32, #tpu.memory_space<hbm>>) target(%arg8 : memref<128x128xf32, #tpu.memory_space<vmem>>) target_semaphore(%arg12 : memref<!tpu.dma_semaphore, #tpu.memory_space<semaphore_mem>>)
    %dma_wait3A_28 = arith.constant 0 : i32
    %dma_wait3A_29 = tpu.memref_slice %arg2[%add3A_7, %dma_wait3A_28] : memref<32768x128xf32, #tpu.memory_space<hbm>> -> memref<128x128xf32, #tpu.memory_space<hbm>>
    %dma_wait3A_30 = arith.constant 0 : i32
    %dma_wait3A_31 = tpu.memref_slice %arg2[%add3A_7, %dma_wait3A_30] : memref<32768x128xf32, #tpu.memory_space<hbm>> -> memref<128x128xf32, #tpu.memory_space<hbm>>
    tpu.wait_dma2 semaphore(%arg11 : memref<!tpu.dma_semaphore, #tpu.memory_space<semaphore_mem>>) src(%dma_wait3A_31 : memref<128x128xf32, #tpu.memory_space<hbm>>) dst(%arg7 : memref<128x128xf32, #tpu.memory_space<vmem>>)
    %dma_start3A_32 = arith.constant 1 : i32
    %dma_start3A_33 = arith.constant 0 : i32
    %dma_start3A_34 = tpu.memref_slice %arg5[%dma_start3A_32, %dma_start3A_33] : memref<8x128xi32, #tpu.memory_space<vmem>> -> memref<1x128xi32, #tpu.memory_space<vmem>>
    %dma_start3A_35 = tpu.memref_squeeze %dma_start3A_34 : memref<1x128xi32, #tpu.memory_space<vmem>> -> memref<128xi32, #tpu.memory_space<vmem>>
    %dma_start3A_36 = arith.constant 0 : i32
    %dma_start3A_37 = arith.constant 0 : i32
    %dma_start3A_38 = tpu.memref_slice %arg4[%dma_start3A_36, %dma_start3A_37] : memref<40960x128xf32, #tpu.memory_space<hbm>> -> memref<40960x128xf32, #tpu.memory_space<hbm>>
    tpu.enqueue_indirect_dma source(%arg7 : memref<128x128xf32, #tpu.memory_space<vmem>>) target(%dma_start3A_38 : memref<40960x128xf32, #tpu.memory_space<hbm>>) offsets(%dma_start3A_35 : memref<128xi32, #tpu.memory_space<vmem>>) semaphore(%arg15 : memref<!tpu.dma_semaphore, #tpu.memory_space<semaphore_mem>>)
    %add3A_39 = arith.constant 384 : i32
    %add3A_40 = arith.addi %mul3A_2, %add3A_39 : i32
    %dma_start3A_41 = arith.constant 0 : i32
    %dma_start3A_42 = tpu.memref_slice %arg2[%add3A_40, %dma_start3A_41] : memref<32768x128xf32, #tpu.memory_space<hbm>> -> memref<128x128xf32, #tpu.memory_space<hbm>>
    %dma_start3A_43 = arith.constant 0 : i32
    %dma_start3A_44 = tpu.memref_slice %arg2[%add3A_40, %dma_start3A_43] : memref<32768x128xf32, #tpu.memory_space<hbm>> -> memref<128x128xf32, #tpu.memory_space<hbm>>
    tpu.enqueue_dma source(%dma_start3A_44 : memref<128x128xf32, #tpu.memory_space<hbm>>) target(%arg9 : memref<128x128xf32, #tpu.memory_space<vmem>>) target_semaphore(%arg13 : memref<!tpu.dma_semaphore, #tpu.memory_space<semaphore_mem>>)
    %dma_wait3A_45 = arith.constant 0 : i32
    %dma_wait3A_46 = tpu.memref_slice %arg2[%add3A_23, %dma_wait3A_45] : memref<32768x128xf32, #tpu.memory_space<hbm>> -> memref<128x128xf32, #tpu.memory_space<hbm>>
    %dma_wait3A_47 = arith.constant 0 : i32
    %dma_wait3A_48 = tpu.memref_slice %arg2[%add3A_23, %dma_wait3A_47] : memref<32768x128xf32, #tpu.memory_space<hbm>> -> memref<128x128xf32, #tpu.memory_space<hbm>>
    tpu.wait_dma2 semaphore(%arg12 : memref<!tpu.dma_semaphore, #tpu.memory_space<semaphore_mem>>) src(%dma_wait3A_48 : memref<128x128xf32, #tpu.memory_space<hbm>>) dst(%arg8 : memref<128x128xf32, #tpu.memory_space<vmem>>)
    %dma_start3A_49 = arith.constant 2 : i32
    %dma_start3A_50 = arith.constant 0 : i32
    %dma_start3A_51 = tpu.memref_slice %arg5[%dma_start3A_49, %dma_start3A_50] : memref<8x128xi32, #tpu.memory_space<vmem>> -> memref<1x128xi32, #tpu.memory_space<vmem>>
    %dma_start3A_52 = tpu.memref_squeeze %dma_start3A_51 : memref<1x128xi32, #tpu.memory_space<vmem>> -> memref<128xi32, #tpu.memory_space<vmem>>
    %dma_start3A_53 = arith.constant 0 : i32
    %dma_start3A_54 = arith.constant 0 : i32
    %dma_start3A_55 = tpu.memref_slice %arg4[%dma_start3A_53, %dma_start3A_54] : memref<40960x128xf32, #tpu.memory_space<hbm>> -> memref<40960x128xf32, #tpu.memory_space<hbm>>
    tpu.enqueue_indirect_dma source(%arg8 : memref<128x128xf32, #tpu.memory_space<vmem>>) target(%dma_start3A_55 : memref<40960x128xf32, #tpu.memory_space<hbm>>) offsets(%dma_start3A_52 : memref<128xi32, #tpu.memory_space<vmem>>) semaphore(%arg16 : memref<!tpu.dma_semaphore, #tpu.memory_space<semaphore_mem>>)
    %dma_wait3A_56 = arith.constant 0 : i32
    %dma_wait3A_57 = arith.constant 0 : i32
    %dma_wait3A_58 = tpu.memref_slice %arg5[%dma_wait3A_56, %dma_wait3A_57] : memref<8x128xi32, #tpu.memory_space<vmem>> -> memref<1x128xi32, #tpu.memory_space<vmem>>
    %dma_wait3A_59 = tpu.memref_squeeze %dma_wait3A_58 : memref<1x128xi32, #tpu.memory_space<vmem>> -> memref<128xi32, #tpu.memory_space<vmem>>
    %dma_wait3A_60 = arith.constant 0 : i32
    %dma_wait3A_61 = arith.constant 0 : i32
    %dma_wait3A_62 = tpu.memref_slice %arg4[%dma_wait3A_60, %dma_wait3A_61] : memref<40960x128xf32, #tpu.memory_space<hbm>> -> memref<40960x128xf32, #tpu.memory_space<hbm>>
    tpu.wait_indirect_dma semaphore(%arg14 : memref<!tpu.dma_semaphore, #tpu.memory_space<semaphore_mem>>) src(%arg6 : memref<128x128xf32, #tpu.memory_space<vmem>>) dst(%dma_wait3A_62 : memref<40960x128xf32, #tpu.memory_space<hbm>>)
    %add3A_63 = arith.constant 512 : i32
    %add3A_64 = arith.addi %mul3A_2, %add3A_63 : i32
    %dma_start3A_65 = arith.constant 0 : i32
    %dma_start3A_66 = tpu.memref_slice %arg2[%add3A_64, %dma_start3A_65] : memref<32768x128xf32, #tpu.memory_space<hbm>> -> memref<128x128xf32, #tpu.memory_space<hbm>>
    %dma_start3A_67 = arith.constant 0 : i32
    %dma_start3A_68 = tpu.memref_slice %arg2[%add3A_64, %dma_start3A_67] : memref<32768x128xf32, #tpu.memory_space<hbm>> -> memref<128x128xf32, #tpu.memory_space<hbm>>
    tpu.enqueue_dma source(%dma_start3A_68 : memref<128x128xf32, #tpu.memory_space<hbm>>) target(%arg6 : memref<128x128xf32, #tpu.memory_space<vmem>>) target_semaphore(%arg10 : memref<!tpu.dma_semaphore, #tpu.memory_space<semaphore_mem>>)
    %dma_wait3A_69 = arith.constant 0 : i32
    %dma_wait3A_70 = tpu.memref_slice %arg2[%add3A_40, %dma_wait3A_69] : memref<32768x128xf32, #tpu.memory_space<hbm>> -> memref<128x128xf32, #tpu.memory_space<hbm>>
    %dma_wait3A_71 = arith.constant 0 : i32
    %dma_wait3A_72 = tpu.memref_slice %arg2[%add3A_40, %dma_wait3A_71] : memref<32768x128xf32, #tpu.memory_space<hbm>> -> memref<128x128xf32, #tpu.memory_space<hbm>>
    tpu.wait_dma2 semaphore(%arg13 : memref<!tpu.dma_semaphore, #tpu.memory_space<semaphore_mem>>) src(%dma_wait3A_72 : memref<128x128xf32, #tpu.memory_space<hbm>>) dst(%arg9 : memref<128x128xf32, #tpu.memory_space<vmem>>)
    %dma_start3A_73 = arith.constant 3 : i32
    %dma_start3A_74 = arith.constant 0 : i32
    %dma_start3A_75 = tpu.memref_slice %arg5[%dma_start3A_73, %dma_start3A_74] : memref<8x128xi32, #tpu.memory_space<vmem>> -> memref<1x128xi32, #tpu.memory_space<vmem>>
    %dma_start3A_76 = tpu.memref_squeeze %dma_start3A_75 : memref<1x128xi32, #tpu.memory_space<vmem>> -> memref<128xi32, #tpu.memory_space<vmem>>
    %dma_start3A_77 = arith.constant 0 : i32
    %dma_start3A_78 = arith.constant 0 : i32
    %dma_start3A_79 = tpu.memref_slice %arg4[%dma_start3A_77, %dma_start3A_78] : memref<40960x128xf32, #tpu.memory_space<hbm>> -> memref<40960x128xf32, #tpu.memory_space<hbm>>
    tpu.enqueue_indirect_dma source(%arg9 : memref<128x128xf32, #tpu.memory_space<vmem>>) target(%dma_start3A_79 : memref<40960x128xf32, #tpu.memory_space<hbm>>) offsets(%dma_start3A_76 : memref<128xi32, #tpu.memory_space<vmem>>) semaphore(%arg17 : memref<!tpu.dma_semaphore, #tpu.memory_space<semaphore_mem>>)
    %dma_wait3A_80 = arith.constant 1 : i32
    %dma_wait3A_81 = arith.constant 0 : i32
    %dma_wait3A_82 = tpu.memref_slice %arg5[%dma_wait3A_80, %dma_wait3A_81] : memref<8x128xi32, #tpu.memory_space<vmem>> -> memref<1x128xi32, #tpu.memory_space<vmem>>
    %dma_wait3A_83 = tpu.memref_squeeze %dma_wait3A_82 : memref<1x128xi32, #tpu.memory_space<vmem>> -> memref<128xi32, #tpu.memory_space<vmem>>
    %dma_wait3A_84 = arith.constant 0 : i32
    %dma_wait3A_85 = arith.constant 0 : i32
    %dma_wait3A_86 = tpu.memref_slice %arg4[%dma_wait3A_84, %dma_wait3A_85] : memref<40960x128xf32, #tpu.memory_space<hbm>> -> memref<40960x128xf32, #tpu.memory_space<hbm>>
    tpu.wait_indirect_dma semaphore(%arg15 : memref<!tpu.dma_semaphore, #tpu.memory_space<semaphore_mem>>) src(%arg7 : memref<128x128xf32, #tpu.memory_space<vmem>>) dst(%dma_wait3A_86 : memref<40960x128xf32, #tpu.memory_space<hbm>>)
    %add3A_87 = arith.constant 640 : i32
    %add3A_88 = arith.addi %mul3A_2, %add3A_87 : i32
    %dma_start3A_89 = arith.constant 0 : i32
    %dma_start3A_90 = tpu.memref_slice %arg2[%add3A_88, %dma_start3A_89] : memref<32768x128xf32, #tpu.memory_space<hbm>> -> memref<128x128xf32, #tpu.memory_space<hbm>>
    %dma_start3A_91 = arith.constant 0 : i32
    %dma_start3A_92 = tpu.memref_slice %arg2[%add3A_88, %dma_start3A_91] : memref<32768x128xf32, #tpu.memory_space<hbm>> -> memref<128x128xf32, #tpu.memory_space<hbm>>
    tpu.enqueue_dma source(%dma_start3A_92 : memref<128x128xf32, #tpu.memory_space<hbm>>) target(%arg7 : memref<128x128xf32, #tpu.memory_space<vmem>>) target_semaphore(%arg11 : memref<!tpu.dma_semaphore, #tpu.memory_space<semaphore_mem>>)
    %dma_wait3A_93 = arith.constant 0 : i32
    %dma_wait3A_94 = tpu.memref_slice %arg2[%add3A_64, %dma_wait3A_93] : memref<32768x128xf32, #tpu.memory_space<hbm>> -> memref<128x128xf32, #tpu.memory_space<hbm>>
    %dma_wait3A_95 = arith.constant 0 : i32
    %dma_wait3A_96 = tpu.memref_slice %arg2[%add3A_64, %dma_wait3A_95] : memref<32768x128xf32, #tpu.memory_space<hbm>> -> memref<128x128xf32, #tpu.memory_space<hbm>>
    tpu.wait_dma2 semaphore(%arg10 : memref<!tpu.dma_semaphore, #tpu.memory_space<semaphore_mem>>) src(%dma_wait3A_96 : memref<128x128xf32, #tpu.memory_space<hbm>>) dst(%arg6 : memref<128x128xf32, #tpu.memory_space<vmem>>)
    %dma_start3A_97 = arith.constant 4 : i32
    %dma_start3A_98 = arith.constant 0 : i32
    %dma_start3A_99 = tpu.memref_slice %arg5[%dma_start3A_97, %dma_start3A_98] : memref<8x128xi32, #tpu.memory_space<vmem>> -> memref<1x128xi32, #tpu.memory_space<vmem>>
    %dma_start3A_100 = tpu.memref_squeeze %dma_start3A_99 : memref<1x128xi32, #tpu.memory_space<vmem>> -> memref<128xi32, #tpu.memory_space<vmem>>
    %dma_start3A_101 = arith.constant 0 : i32
    %dma_start3A_102 = arith.constant 0 : i32
    %dma_start3A_103 = tpu.memref_slice %arg4[%dma_start3A_101, %dma_start3A_102] : memref<40960x128xf32, #tpu.memory_space<hbm>> -> memref<40960x128xf32, #tpu.memory_space<hbm>>
    tpu.enqueue_indirect_dma source(%arg6 : memref<128x128xf32, #tpu.memory_space<vmem>>) target(%dma_start3A_103 : memref<40960x128xf32, #tpu.memory_space<hbm>>) offsets(%dma_start3A_100 : memref<128xi32, #tpu.memory_space<vmem>>) semaphore(%arg14 : memref<!tpu.dma_semaphore, #tpu.memory_space<semaphore_mem>>)
    %dma_wait3A_104 = arith.constant 2 : i32
    %dma_wait3A_105 = arith.constant 0 : i32
    %dma_wait3A_106 = tpu.memref_slice %arg5[%dma_wait3A_104, %dma_wait3A_105] : memref<8x128xi32, #tpu.memory_space<vmem>> -> memref<1x128xi32, #tpu.memory_space<vmem>>
    %dma_wait3A_107 = tpu.memref_squeeze %dma_wait3A_106 : memref<1x128xi32, #tpu.memory_space<vmem>> -> memref<128xi32, #tpu.memory_space<vmem>>
    %dma_wait3A_108 = arith.constant 0 : i32
    %dma_wait3A_109 = arith.constant 0 : i32
    %dma_wait3A_110 = tpu.memref_slice %arg4[%dma_wait3A_108, %dma_wait3A_109] : memref<40960x128xf32, #tpu.memory_space<hbm>> -> memref<40960x128xf32, #tpu.memory_space<hbm>>
    tpu.wait_indirect_dma semaphore(%arg16 : memref<!tpu.dma_semaphore, #tpu.memory_space<semaphore_mem>>) src(%arg8 : memref<128x128xf32, #tpu.memory_space<vmem>>) dst(%dma_wait3A_110 : memref<40960x128xf32, #tpu.memory_space<hbm>>)
    %add3A_111 = arith.constant 768 : i32
    %add3A_112 = arith.addi %mul3A_2, %add3A_111 : i32
    %dma_start3A_113 = arith.constant 0 : i32
    %dma_start3A_114 = tpu.memref_slice %arg2[%add3A_112, %dma_start3A_113] : memref<32768x128xf32, #tpu.memory_space<hbm>> -> memref<128x128xf32, #tpu.memory_space<hbm>>
    %dma_start3A_115 = arith.constant 0 : i32
    %dma_start3A_116 = tpu.memref_slice %arg2[%add3A_112, %dma_start3A_115] : memref<32768x128xf32, #tpu.memory_space<hbm>> -> memref<128x128xf32, #tpu.memory_space<hbm>>
    tpu.enqueue_dma source(%dma_start3A_116 : memref<128x128xf32, #tpu.memory_space<hbm>>) target(%arg8 : memref<128x128xf32, #tpu.memory_space<vmem>>) target_semaphore(%arg12 : memref<!tpu.dma_semaphore, #tpu.memory_space<semaphore_mem>>)
    %dma_wait3A_117 = arith.constant 0 : i32
    %dma_wait3A_118 = tpu.memref_slice %arg2[%add3A_88, %dma_wait3A_117] : memref<32768x128xf32, #tpu.memory_space<hbm>> -> memref<128x128xf32, #tpu.memory_space<hbm>>
    %dma_wait3A_119 = arith.constant 0 : i32
    %dma_wait3A_120 = tpu.memref_slice %arg2[%add3A_88, %dma_wait3A_119] : memref<32768x128xf32, #tpu.memory_space<hbm>> -> memref<128x128xf32, #tpu.memory_space<hbm>>
    tpu.wait_dma2 semaphore(%arg11 : memref<!tpu.dma_semaphore, #tpu.memory_space<semaphore_mem>>) src(%dma_wait3A_120 : memref<128x128xf32, #tpu.memory_space<hbm>>) dst(%arg7 : memref<128x128xf32, #tpu.memory_space<vmem>>)
    %dma_start3A_121 = arith.constant 5 : i32
    %dma_start3A_122 = arith.constant 0 : i32
    %dma_start3A_123 = tpu.memref_slice %arg5[%dma_start3A_121, %dma_start3A_122] : memref<8x128xi32, #tpu.memory_space<vmem>> -> memref<1x128xi32, #tpu.memory_space<vmem>>
    %dma_start3A_124 = tpu.memref_squeeze %dma_start3A_123 : memref<1x128xi32, #tpu.memory_space<vmem>> -> memref<128xi32, #tpu.memory_space<vmem>>
    %dma_start3A_125 = arith.constant 0 : i32
    %dma_start3A_126 = arith.constant 0 : i32
    %dma_start3A_127 = tpu.memref_slice %arg4[%dma_start3A_125, %dma_start3A_126] : memref<40960x128xf32, #tpu.memory_space<hbm>> -> memref<40960x128xf32, #tpu.memory_space<hbm>>
    tpu.enqueue_indirect_dma source(%arg7 : memref<128x128xf32, #tpu.memory_space<vmem>>) target(%dma_start3A_127 : memref<40960x128xf32, #tpu.memory_space<hbm>>) offsets(%dma_start3A_124 : memref<128xi32, #tpu.memory_space<vmem>>) semaphore(%arg15 : memref<!tpu.dma_semaphore, #tpu.memory_space<semaphore_mem>>)
    %dma_wait3A_128 = arith.constant 3 : i32
    %dma_wait3A_129 = arith.constant 0 : i32
    %dma_wait3A_130 = tpu.memref_slice %arg5[%dma_wait3A_128, %dma_wait3A_129] : memref<8x128xi32, #tpu.memory_space<vmem>> -> memref<1x128xi32, #tpu.memory_space<vmem>>
    %dma_wait3A_131 = tpu.memref_squeeze %dma_wait3A_130 : memref<1x128xi32, #tpu.memory_space<vmem>> -> memref<128xi32, #tpu.memory_space<vmem>>
    %dma_wait3A_132 = arith.constant 0 : i32
    %dma_wait3A_133 = arith.constant 0 : i32
    %dma_wait3A_134 = tpu.memref_slice %arg4[%dma_wait3A_132, %dma_wait3A_133] : memref<40960x128xf32, #tpu.memory_space<hbm>> -> memref<40960x128xf32, #tpu.memory_space<hbm>>
    tpu.wait_indirect_dma semaphore(%arg17 : memref<!tpu.dma_semaphore, #tpu.memory_space<semaphore_mem>>) src(%arg9 : memref<128x128xf32, #tpu.memory_space<vmem>>) dst(%dma_wait3A_134 : memref<40960x128xf32, #tpu.memory_space<hbm>>)
    %add3A_135 = arith.constant 896 : i32
    %add3A_136 = arith.addi %mul3A_2, %add3A_135 : i32
    %dma_start3A_137 = arith.constant 0 : i32
    %dma_start3A_138 = tpu.memref_slice %arg2[%add3A_136, %dma_start3A_137] : memref<32768x128xf32, #tpu.memory_space<hbm>> -> memref<128x128xf32, #tpu.memory_space<hbm>>
    %dma_start3A_139 = arith.constant 0 : i32
    %dma_start3A_140 = tpu.memref_slice %arg2[%add3A_136, %dma_start3A_139] : memref<32768x128xf32, #tpu.memory_space<hbm>> -> memref<128x128xf32, #tpu.memory_space<hbm>>
    tpu.enqueue_dma source(%dma_start3A_140 : memref<128x128xf32, #tpu.memory_space<hbm>>) target(%arg9 : memref<128x128xf32, #tpu.memory_space<vmem>>) target_semaphore(%arg13 : memref<!tpu.dma_semaphore, #tpu.memory_space<semaphore_mem>>)
    %dma_wait3A_141 = arith.constant 0 : i32
    %dma_wait3A_142 = tpu.memref_slice %arg2[%add3A_112, %dma_wait3A_141] : memref<32768x128xf32, #tpu.memory_space<hbm>> -> memref<128x128xf32, #tpu.memory_space<hbm>>
    %dma_wait3A_143 = arith.constant 0 : i32
    %dma_wait3A_144 = tpu.memref_slice %arg2[%add3A_112, %dma_wait3A_143] : memref<32768x128xf32, #tpu.memory_space<hbm>> -> memref<128x128xf32, #tpu.memory_space<hbm>>
    tpu.wait_dma2 semaphore(%arg12 : memref<!tpu.dma_semaphore, #tpu.memory_space<semaphore_mem>>) src(%dma_wait3A_144 : memref<128x128xf32, #tpu.memory_space<hbm>>) dst(%arg8 : memref<128x128xf32, #tpu.memory_space<vmem>>)
    %dma_start3A_145 = arith.constant 6 : i32
    %dma_start3A_146 = arith.constant 0 : i32
    %dma_start3A_147 = tpu.memref_slice %arg5[%dma_start3A_145, %dma_start3A_146] : memref<8x128xi32, #tpu.memory_space<vmem>> -> memref<1x128xi32, #tpu.memory_space<vmem>>
    %dma_start3A_148 = tpu.memref_squeeze %dma_start3A_147 : memref<1x128xi32, #tpu.memory_space<vmem>> -> memref<128xi32, #tpu.memory_space<vmem>>
    %dma_start3A_149 = arith.constant 0 : i32
    %dma_start3A_150 = arith.constant 0 : i32
    %dma_start3A_151 = tpu.memref_slice %arg4[%dma_start3A_149, %dma_start3A_150] : memref<40960x128xf32, #tpu.memory_space<hbm>> -> memref<40960x128xf32, #tpu.memory_space<hbm>>
    tpu.enqueue_indirect_dma source(%arg8 : memref<128x128xf32, #tpu.memory_space<vmem>>) target(%dma_start3A_151 : memref<40960x128xf32, #tpu.memory_space<hbm>>) offsets(%dma_start3A_148 : memref<128xi32, #tpu.memory_space<vmem>>) semaphore(%arg16 : memref<!tpu.dma_semaphore, #tpu.memory_space<semaphore_mem>>)
    %dma_wait3A_152 = arith.constant 0 : i32
    %dma_wait3A_153 = tpu.memref_slice %arg2[%add3A_136, %dma_wait3A_152] : memref<32768x128xf32, #tpu.memory_space<hbm>> -> memref<128x128xf32, #tpu.memory_space<hbm>>
    %dma_wait3A_154 = arith.constant 0 : i32
    %dma_wait3A_155 = tpu.memref_slice %arg2[%add3A_136, %dma_wait3A_154] : memref<32768x128xf32, #tpu.memory_space<hbm>> -> memref<128x128xf32, #tpu.memory_space<hbm>>
    tpu.wait_dma2 semaphore(%arg13 : memref<!tpu.dma_semaphore, #tpu.memory_space<semaphore_mem>>) src(%dma_wait3A_155 : memref<128x128xf32, #tpu.memory_space<hbm>>) dst(%arg9 : memref<128x128xf32, #tpu.memory_space<vmem>>)
    %dma_start3A_156 = arith.constant 7 : i32
    %dma_start3A_157 = arith.constant 0 : i32
    %dma_start3A_158 = tpu.memref_slice %arg5[%dma_start3A_156, %dma_start3A_157] : memref<8x128xi32, #tpu.memory_space<vmem>> -> memref<1x128xi32, #tpu.memory_space<vmem>>
    %dma_start3A_159 = tpu.memref_squeeze %dma_start3A_158 : memref<1x128xi32, #tpu.memory_space<vmem>> -> memref<128xi32, #tpu.memory_space<vmem>>
    %dma_start3A_160 = arith.constant 0 : i32
    %dma_start3A_161 = arith.constant 0 : i32
    %dma_start3A_162 = tpu.memref_slice %arg4[%dma_start3A_160, %dma_start3A_161] : memref<40960x128xf32, #tpu.memory_space<hbm>> -> memref<40960x128xf32, #tpu.memory_space<hbm>>
    tpu.enqueue_indirect_dma source(%arg9 : memref<128x128xf32, #tpu.memory_space<vmem>>) target(%dma_start3A_162 : memref<40960x128xf32, #tpu.memory_space<hbm>>) offsets(%dma_start3A_159 : memref<128xi32, #tpu.memory_space<vmem>>) semaphore(%arg17 : memref<!tpu.dma_semaphore, #tpu.memory_space<semaphore_mem>>)
    %dma_wait3A_163 = arith.constant 4 : i32
    %dma_wait3A_164 = arith.constant 0 : i32
    %dma_wait3A_165 = tpu.memref_slice %arg5[%dma_wait3A_163, %dma_wait3A_164] : memref<8x128xi32, #tpu.memory_space<vmem>> -> memref<1x128xi32, #tpu.memory_space<vmem>>
    %dma_wait3A_166 = tpu.memref_squeeze %dma_wait3A_165 : memref<1x128xi32, #tpu.memory_space<vmem>> -> memref<128xi32, #tpu.memory_space<vmem>>
    %dma_wait3A_167 = arith.constant 0 : i32
    %dma_wait3A_168 = arith.constant 0 : i32
    %dma_wait3A_169 = tpu.memref_slice %arg4[%dma_wait3A_167, %dma_wait3A_168] : memref<40960x128xf32, #tpu.memory_space<hbm>> -> memref<40960x128xf32, #tpu.memory_space<hbm>>
    tpu.wait_indirect_dma semaphore(%arg14 : memref<!tpu.dma_semaphore, #tpu.memory_space<semaphore_mem>>) src(%arg6 : memref<128x128xf32, #tpu.memory_space<vmem>>) dst(%dma_wait3A_169 : memref<40960x128xf32, #tpu.memory_space<hbm>>)
    %dma_wait3A_170 = arith.constant 5 : i32
    %dma_wait3A_171 = arith.constant 0 : i32
    %dma_wait3A_172 = tpu.memref_slice %arg5[%dma_wait3A_170, %dma_wait3A_171] : memref<8x128xi32, #tpu.memory_space<vmem>> -> memref<1x128xi32, #tpu.memory_space<vmem>>
    %dma_wait3A_173 = tpu.memref_squeeze %dma_wait3A_172 : memref<1x128xi32, #tpu.memory_space<vmem>> -> memref<128xi32, #tpu.memory_space<vmem>>
    %dma_wait3A_174 = arith.constant 0 : i32
    %dma_wait3A_175 = arith.constant 0 : i32
    %dma_wait3A_176 = tpu.memref_slice %arg4[%dma_wait3A_174, %dma_wait3A_175] : memref<40960x128xf32, #tpu.memory_space<hbm>> -> memref<40960x128xf32, #tpu.memory_space<hbm>>
    tpu.wait_indirect_dma semaphore(%arg15 : memref<!tpu.dma_semaphore, #tpu.memory_space<semaphore_mem>>) src(%arg7 : memref<128x128xf32, #tpu.memory_space<vmem>>) dst(%dma_wait3A_176 : memref<40960x128xf32, #tpu.memory_space<hbm>>)
    %dma_wait3A_177 = arith.constant 6 : i32
    %dma_wait3A_178 = arith.constant 0 : i32
    %dma_wait3A_179 = tpu.memref_slice %arg5[%dma_wait3A_177, %dma_wait3A_178] : memref<8x128xi32, #tpu.memory_space<vmem>> -> memref<1x128xi32, #tpu.memory_space<vmem>>
    %dma_wait3A_180 = tpu.memref_squeeze %dma_wait3A_179 : memref<1x128xi32, #tpu.memory_space<vmem>> -> memref<128xi32, #tpu.memory_space<vmem>>
    %dma_wait3A_181 = arith.constant 0 : i32
    %dma_wait3A_182 = arith.constant 0 : i32
    %dma_wait3A_183 = tpu.memref_slice %arg4[%dma_wait3A_181, %dma_wait3A_182] : memref<40960x128xf32, #tpu.memory_space<hbm>> -> memref<40960x128xf32, #tpu.memory_space<hbm>>
    tpu.wait_indirect_dma semaphore(%arg16 : memref<!tpu.dma_semaphore, #tpu.memory_space<semaphore_mem>>) src(%arg8 : memref<128x128xf32, #tpu.memory_space<vmem>>) dst(%dma_wait3A_183 : memref<40960x128xf32, #tpu.memory_space<hbm>>)
    %dma_wait3A_184 = arith.constant 7 : i32
    %dma_wait3A_185 = arith.constant 0 : i32
    %dma_wait3A_186 = tpu.memref_slice %arg5[%dma_wait3A_184, %dma_wait3A_185] : memref<8x128xi32, #tpu.memory_space<vmem>> -> memref<1x128xi32, #tpu.memory_space<vmem>>
    %dma_wait3A_187 = tpu.memref_squeeze %dma_wait3A_186 : memref<1x128xi32, #tpu.memory_space<vmem>> -> memref<128xi32, #tpu.memory_space<vmem>>
    %dma_wait3A_188 = arith.constant 0 : i32
    %dma_wait3A_189 = arith.constant 0 : i32
    %dma_wait3A_190 = tpu.memref_slice %arg4[%dma_wait3A_188, %dma_wait3A_189] : memref<40960x128xf32, #tpu.memory_space<hbm>> -> memref<40960x128xf32, #tpu.memory_space<hbm>>
    tpu.wait_indirect_dma semaphore(%arg17 : memref<!tpu.dma_semaphore, #tpu.memory_space<semaphore_mem>>) src(%arg9 : memref<128x128xf32, #tpu.memory_space<vmem>>) dst(%dma_wait3A_190 : memref<40960x128xf32, #tpu.memory_space<hbm>>)
    return
  }
}

#map = affine_map<(d0, d1) -> (0, 0)>
#map1 = affine_map<(d0, d1) -> (0)>
module attributes {stable_mosaic.version = 14 : i64} {
  func.func @out_gather(%arg0: i32, %arg1: i32, %arg2: memref<320x128xf32, #tpu.memory_space<hbm>>, %arg3: memref<32768xi32, #tpu.memory_space<hbm>>, %arg4: memref<32768xf32, #tpu.memory_space<hbm>>, %arg5: memref<320x128xf32, #tpu.memory_space<vmem>>, %arg6: memref<1024xi32, #tpu.memory_space<vmem>>, %arg7: memref<1024xf32, #tpu.memory_space<vmem>>) attributes {dimension_semantics = [#tpu.dimension_semantics<core_parallel>, #tpu.dimension_semantics<subcore_parallel>], iteration_bounds = array<i64: 2, 16>, scalar_prefetch = 0 : i64, scratch_operands = 3 : i64, tpu.core_type = #tpu.core_type<sc_vector_subcore>, window_params = [{transform_indices = #map}, {transform_indices = #map1}, {transform_indices = #map1}]} {
    %mul3A = arith.constant 2 : i32
    %mul3A_0 = arith.muli %arg1, %mul3A : i32
    %add3A = arith.addi %mul3A_0, %arg0 : i32
    %mul3A_1 = arith.constant 1024 : i32
    %mul3A_2 = arith.muli %add3A, %mul3A_1 : i32
    "tpu.region"() ({
      %run_scoped3A = tpu.sem_alloc : memref<!tpu.dma_semaphore, #tpu.memory_space<semaphore_mem>>
      tpu.enqueue_dma source(%arg2 : memref<320x128xf32, #tpu.memory_space<hbm>>) target(%arg5 : memref<320x128xf32, #tpu.memory_space<vmem>>) target_semaphore(%run_scoped3A : memref<!tpu.dma_semaphore, #tpu.memory_space<semaphore_mem>>)
      tpu.wait_dma2 semaphore(%run_scoped3A : memref<!tpu.dma_semaphore, #tpu.memory_space<semaphore_mem>>) src(%arg2 : memref<320x128xf32, #tpu.memory_space<hbm>>) dst(%arg5 : memref<320x128xf32, #tpu.memory_space<vmem>>)
      tpu.yield
    }) : () -> ()
    "tpu.region"() ({
      %run_scoped3A = tpu.sem_alloc : memref<!tpu.dma_semaphore, #tpu.memory_space<semaphore_mem>>
      %dma_start3A = tpu.memref_slice %arg3[%mul3A_2] : memref<32768xi32, #tpu.memory_space<hbm>> -> memref<1024xi32, #tpu.memory_space<hbm>>
      %dma_start3A_8 = tpu.memref_slice %arg3[%mul3A_2] : memref<32768xi32, #tpu.memory_space<hbm>> -> memref<1024xi32, #tpu.memory_space<hbm>>
      tpu.enqueue_dma source(%dma_start3A_8 : memref<1024xi32, #tpu.memory_space<hbm>>) target(%arg6 : memref<1024xi32, #tpu.memory_space<vmem>>) target_semaphore(%run_scoped3A : memref<!tpu.dma_semaphore, #tpu.memory_space<semaphore_mem>>)
      %dma_wait3A = tpu.memref_slice %arg3[%mul3A_2] : memref<32768xi32, #tpu.memory_space<hbm>> -> memref<1024xi32, #tpu.memory_space<hbm>>
      %dma_wait3A_9 = tpu.memref_slice %arg3[%mul3A_2] : memref<32768xi32, #tpu.memory_space<hbm>> -> memref<1024xi32, #tpu.memory_space<hbm>>
      tpu.wait_dma2 semaphore(%run_scoped3A : memref<!tpu.dma_semaphore, #tpu.memory_space<semaphore_mem>>) src(%dma_wait3A_9 : memref<1024xi32, #tpu.memory_space<hbm>>) dst(%arg6 : memref<1024xi32, #tpu.memory_space<vmem>>)
      tpu.yield
    }) : () -> ()
    %scan3A = arith.constant 0 : i32
    %scan3A_3 = arith.constant 0 : i32
    %scan3A_4 = arith.constant 64 : i32
    %scan3A_5 = arith.addi %scan3A_3, %scan3A_4 : i32
    %scan3A_6 = arith.constant 1 : i32
    scf.for %scan3A_8 = %scan3A_3 to %scan3A_5 step %scan3A_6  : i32 {
      %mul3A_9 = arith.constant 16 : i32
      %mul3A_10 = arith.muli %scan3A_8, %mul3A_9 : i32
      %multiple_of3A = tpu.assume_multiple %mul3A_10, 16 : i32
      %get3A = arith.index_cast %multiple_of3A : i32 to index
      %get3A_11 = tpu.vector_load %arg6[%get3A] {strides = array<i32>} : memref<1024xi32, #tpu.memory_space<vmem>>, vector<16xi32>,
      %shift_right_logical3A = arith.constant 7 : i32
      %shift_right_logical3A_12 = vector.broadcast %shift_right_logical3A : i32 to vector<16xi32>
      %shift_right_logical3A_13 = arith.shrui %get3A_11, %shift_right_logical3A_12 : vector<16xi32>
      %and3A = arith.constant 127 : i32
      %and3A_14 = vector.broadcast %and3A : i32 to vector<16xi32>
      %and3A_15 = arith.andi %get3A_11, %and3A_14 : vector<16xi32>
      %gather3A = tpu.vector_load_idx %arg5[%shift_right_logical3A_13, %and3A_15] : memref<320x128xf32, #tpu.memory_space<vmem>>[vector<16xi32>, vector<16xi32>], vector<16xf32>,
      %swap3A = arith.index_cast %multiple_of3A : i32 to index
      %swap3A_16 = tpu.vector_load %arg7[%swap3A] {strides = array<i32>} : memref<1024xf32, #tpu.memory_space<vmem>>, vector<16xf32>,
      tpu.vector_store %arg7[%swap3A], %gather3A {strides = array<i32>} : memref<1024xf32, #tpu.memory_space<vmem>>, vector<16xf32>,
    }
    %scan3A_7 = arith.constant 64 : i32
    "tpu.region"() ({
      %run_scoped3A = tpu.sem_alloc : memref<!tpu.dma_semaphore, #tpu.memory_space<semaphore_mem>>
      %dma_start3A = tpu.memref_slice %arg4[%mul3A_2] : memref<32768xf32, #tpu.memory_space<hbm>> -> memref<1024xf32, #tpu.memory_space<hbm>>
      %dma_start3A_8 = tpu.memref_slice %arg4[%mul3A_2] : memref<32768xf32, #tpu.memory_space<hbm>> -> memref<1024xf32, #tpu.memory_space<hbm>>
      tpu.enqueue_dma source(%arg7 : memref<1024xf32, #tpu.memory_space<vmem>>) target(%dma_start3A_8 : memref<1024xf32, #tpu.memory_space<hbm>>) target_semaphore(%run_scoped3A : memref<!tpu.dma_semaphore, #tpu.memory_space<semaphore_mem>>)
      %dma_wait3A = tpu.memref_slice %arg4[%mul3A_2] : memref<32768xf32, #tpu.memory_space<hbm>> -> memref<1024xf32, #tpu.memory_space<hbm>>
      %dma_wait3A_9 = tpu.memref_slice %arg4[%mul3A_2] : memref<32768xf32, #tpu.memory_space<hbm>> -> memref<1024xf32, #tpu.memory_space<hbm>>
      tpu.wait_dma2 semaphore(%run_scoped3A : memref<!tpu.dma_semaphore, #tpu.memory_space<semaphore_mem>>) src(%arg7 : memref<1024xf32, #tpu.memory_space<vmem>>) dst(%dma_wait3A_9 : memref<1024xf32, #tpu.memory_space<hbm>>)
      tpu.yield
    }) : () -> ()
    return
  }
}

module attributes {stable_mosaic.version = 14 : i64} {
  func.func @_mlp_body(%arg0: i32, %arg1: memref<40xi32, #tpu.memory_space<smem>>, %arg2: memref<1024x128xf32, #tpu.memory_space<vmem>>, %arg3: memref<1x128x128xf32, #tpu.memory_space<vmem>>, %arg4: memref<1x1x128xf32, #tpu.memory_space<vmem>>, %arg5: memref<1x4x128x128xf32, #tpu.memory_space<vmem>>, %arg6: memref<1x4x128xf32, #tpu.memory_space<vmem>>, %arg7: memref<1x1x128xf32, #tpu.memory_space<vmem>>, %arg8: memref<8x1xf32, #tpu.memory_space<smem>>, %arg9: memref<1x1x1024xf32, #tpu.memory_space<vmem>>) attributes {dimension_semantics = [#tpu.dimension_semantics<arbitrary>], iteration_bounds = array<i64: 40>, scalar_prefetch = 1 : i64, scratch_operands = 0 : i64, tpu.core_type = #tpu.core_type<tc>, window_params = [{transform_indices = @transform_0, window_bounds = array<i64: 1024, 128>}, {transform_indices = @transform_1, window_bounds = array<i64: 1, 128, 128>}, {transform_indices = @transform_2, window_bounds = array<i64: 1, 1, 128>}, {transform_indices = @transform_3, window_bounds = array<i64: 1, 4, 128, 128>}, {transform_indices = @transform_4, window_bounds = array<i64: 1, 4, 128>}, {transform_indices = @transform_5, window_bounds = array<i64: 1, 1, 128>}, {transform_indices = @transform_6, window_bounds = array<i64: 8, 1>}, {transform_indices = @transform_7, window_bounds = array<i64: 1, 1, 1024>}]} {
    %get3A = arith.index_cast %arg0 : i32 to index
    %get3A_0 = memref.load %arg1[%get3A] : memref<40xi32, #tpu.memory_space<smem>>
    %get3A_1 = arith.constant 0 : index
    %get3A_2 = arith.constant 0 : index
    %get3A_3 = vector.load %arg2[%get3A_1, %get3A_2] : memref<1024x128xf32, #tpu.memory_space<vmem>>, vector<1024x128xf32>
    %get3A_4 = arith.constant 0 : index
    %get3A_5 = arith.constant 0 : index
    %get3A_6 = arith.constant 0 : index
    %get3A_7 = vector.load %arg3[%get3A_4, %get3A_5, %get3A_6] : memref<1x128x128xf32, #tpu.memory_space<vmem>>, vector<1x128x128xf32>
    %get3A_8 = vector.shape_cast %get3A_7 : vector<1x128x128xf32> to vector<128x128xf32>
    %dot_general3A = arith.constant dense<0.000000e+00> : vector<1024x128xf32>
    %dot_general3A_9 = tpu.matmul %get3A_3, %get3A_8, %dot_general3A {dimension_numbers = #tpu.dot_dimension_numbers<[1], [1], [0], [0], [0, 0, 1, 0], [], []>, transpose_lhs_hint = false} : vector<1024x128xf32>, vector<128x128xf32>, vector<1024x128xf32> -> vector<1024x128xf32>
    %get3A_10 = arith.constant 0 : index
    %get3A_11 = arith.constant 0 : index
    %get3A_12 = arith.constant 0 : index
    %get3A_13 = vector.load %arg4[%get3A_10, %get3A_11, %get3A_12] : memref<1x1x128xf32, #tpu.memory_space<vmem>>, vector<1x1x128xf32>
    %get3A_14 = vector.shape_cast %get3A_13 : vector<1x1x128xf32> to vector<1x128xf32>
    %add3A = vector.broadcast %get3A_14 : vector<1x128xf32> to vector<1024x128xf32>
    %add3A_15 = arith.addf %dot_general3A_9, %add3A : vector<1024x128xf32>
    %mul3A = arith.constant 184.664963 : f32
    %mul3A_16 = vector.broadcast %mul3A : f32 to vector<1024x128xf32>
    %mul3A_17 = arith.mulf %add3A_15, %mul3A_16 : vector<1024x128xf32>
    %min3A = arith.constant 184.664963 : f32
    %min3A_18 = vector.broadcast %min3A : f32 to vector<1024x128xf32>
    %min3A_19 = arith.minimumf %mul3A_17, %min3A_18 : vector<1024x128xf32>
    %exp23A = math.exp2 %min3A_19 : vector<1024x128xf32>
    %add3A_20 = arith.constant 1.000000e+00 : f32
    %add3A_21 = vector.broadcast %add3A_20 : f32 to vector<1024x128xf32>
    %add3A_22 = arith.addf %add3A_21, %exp23A : vector<1024x128xf32>
    %log3A = math.log %add3A_22 : vector<1024x128xf32>
    %log3A_23 = arith.constant 2.000000e+00 : f32
    %log3A_24 = math.log %log3A_23 : f32
    %div3A = vector.broadcast %log3A_24 : f32 to vector<1024x128xf32>
    %div3A_25 = arith.divf %log3A, %div3A : vector<1024x128xf32>
    %mul3A_26 = arith.constant 0.00541521236 : f32
    %mul3A_27 = vector.broadcast %mul3A_26 : f32 to vector<1024x128xf32>
    %mul3A_28 = arith.mulf %div3A_25, %mul3A_27 : vector<1024x128xf32>
    %gt3A = arith.constant 1.000000e+00 : f32
    %gt3A_29 = vector.broadcast %gt3A : f32 to vector<1024x128xf32>
    %gt3A_30 = arith.cmpf ogt, %add3A_15, %gt3A_29 : vector<1024x128xf32>
    %select_n3A = arith.select %gt3A_30, %add3A_15, %mul3A_28 : vector<1024x128xi1>, vector<1024x128xf32>
    %reduce_sum3A = arith.constant dense<0.000000e+00> : vector<1024xf32>
    %reduce_sum3A_31 = vector.multi_reduction <add>, %select_n3A, %reduce_sum3A [1] : vector<1024x128xf32> to vector<1024xf32>
    %broadcast_in_dim3A = vector.shape_cast %reduce_sum3A_31 : vector<1024xf32> to vector<1024x1xf32>
    %div3A_32 = arith.constant 1.280000e+02 : f32
    %div3A_33 = vector.broadcast %div3A_32 : f32 to vector<1024x1xf32>
    %div3A_34 = arith.divf %broadcast_in_dim3A, %div3A_33 : vector<1024x1xf32>
    %mul3A_35 = arith.mulf %select_n3A, %select_n3A : vector<1024x128xf32>
    %reduce_sum3A_36 = arith.constant dense<0.000000e+00> : vector<1024xf32>
    %reduce_sum3A_37 = vector.multi_reduction <add>, %mul3A_35, %reduce_sum3A_36 [1] : vector<1024x128xf32> to vector<1024xf32>
    %broadcast_in_dim3A_38 = vector.shape_cast %reduce_sum3A_37 : vector<1024xf32> to vector<1024x1xf32>
    %div3A_39 = arith.constant 1.280000e+02 : f32
    %div3A_40 = vector.broadcast %div3A_39 : f32 to vector<1024x1xf32>
    %div3A_41 = arith.divf %broadcast_in_dim3A_38, %div3A_40 : vector<1024x1xf32>
    %mul3A_42 = arith.mulf %div3A_34, %div3A_34 : vector<1024x1xf32>
    %sub3A = arith.subf %div3A_41, %mul3A_42 : vector<1024x1xf32>
    %max3A = arith.constant 0.000000e+00 : f32
    %max3A_43 = vector.broadcast %max3A : f32 to vector<1024x1xf32>
    %max3A_44 = arith.maximumf %sub3A, %max3A_43 : vector<1024x1xf32>
    %sub3A_45 = vector.broadcast %div3A_34 : vector<1024x1xf32> to vector<1024x128xf32>
    %sub3A_46 = arith.subf %select_n3A, %sub3A_45 : vector<1024x128xf32>
    %add3A_47 = arith.constant 9.99999974E-6 : f32
    %add3A_48 = vector.broadcast %add3A_47 : f32 to vector<1024x1xf32>
    %add3A_49 = arith.addf %max3A_44, %add3A_48 : vector<1024x1xf32>
    %rsqrt3A = math.rsqrt %add3A_49 : vector<1024x1xf32>
    %mul3A_50 = vector.broadcast %rsqrt3A : vector<1024x1xf32> to vector<1024x128xf32>
    %mul3A_51 = arith.mulf %sub3A_46, %mul3A_50 : vector<1024x128xf32>
    %get3A_52 = arith.constant 0 : index
    %get3A_53 = arith.constant 0 : index
    %get3A_54 = arith.constant 0 : index
    %get3A_55 = arith.constant 0 : index
    %get3A_56 = vector.load %arg5[%get3A_52, %get3A_53, %get3A_54, %get3A_55] : memref<1x4x128x128xf32, #tpu.memory_space<vmem>>, vector<1x1x128x128xf32>
    %get3A_57 = vector.shape_cast %get3A_56 : vector<1x1x128x128xf32> to vector<128x128xf32>
    %dot_general3A_58 = arith.constant dense<0.000000e+00> : vector<1024x128xf32>
    %dot_general3A_59 = tpu.matmul %mul3A_51, %get3A_57, %dot_general3A_58 {dimension_numbers = #tpu.dot_dimension_numbers<[1], [1], [0], [0], [0, 0, 1, 0], [], []>, transpose_lhs_hint = false} : vector<1024x128xf32>, vector<128x128xf32>, vector<1024x128xf32> -> vector<1024x128xf32>
    %get3A_60 = arith.constant 0 : index
    %get3A_61 = arith.constant 0 : index
    %get3A_62 = arith.constant 0 : index
    %get3A_63 = vector.load %arg6[%get3A_60, %get3A_61, %get3A_62] : memref<1x4x128xf32, #tpu.memory_space<vmem>>, vector<1x1x128xf32>
    %get3A_64 = vector.shape_cast %get3A_63 : vector<1x1x128xf32> to vector<128xf32>
    %broadcast_in_dim3A_65 = vector.shape_cast %get3A_64 : vector<128xf32> to vector<1x128xf32>
    %add3A_66 = vector.broadcast %broadcast_in_dim3A_65 : vector<1x128xf32> to vector<1024x128xf32>
    %add3A_67 = arith.addf %dot_general3A_59, %add3A_66 : vector<1024x128xf32>
    %mul3A_68 = arith.constant 184.664963 : f32
    %mul3A_69 = vector.broadcast %mul3A_68 : f32 to vector<1024x128xf32>
    %mul3A_70 = arith.mulf %add3A_67, %mul3A_69 : vector<1024x128xf32>
    %min3A_71 = arith.constant 184.664963 : f32
    %min3A_72 = vector.broadcast %min3A_71 : f32 to vector<1024x128xf32>
    %min3A_73 = arith.minimumf %mul3A_70, %min3A_72 : vector<1024x128xf32>
    %exp23A_74 = math.exp2 %min3A_73 : vector<1024x128xf32>
    %add3A_75 = arith.constant 1.000000e+00 : f32
    %add3A_76 = vector.broadcast %add3A_75 : f32 to vector<1024x128xf32>
    %add3A_77 = arith.addf %add3A_76, %exp23A_74 : vector<1024x128xf32>
    %log3A_78 = math.log %add3A_77 : vector<1024x128xf32>
    %log3A_79 = arith.constant 2.000000e+00 : f32
    %log3A_80 = math.log %log3A_79 : f32
    %div3A_81 = vector.broadcast %log3A_80 : f32 to vector<1024x128xf32>
    %div3A_82 = arith.divf %log3A_78, %div3A_81 : vector<1024x128xf32>
    %mul3A_83 = arith.constant 0.00541521236 : f32
    %mul3A_84 = vector.broadcast %mul3A_83 : f32 to vector<1024x128xf32>
    %mul3A_85 = arith.mulf %div3A_82, %mul3A_84 : vector<1024x128xf32>
    %gt3A_86 = arith.constant 1.000000e+00 : f32
    %gt3A_87 = vector.broadcast %gt3A_86 : f32 to vector<1024x128xf32>
    %gt3A_88 = arith.cmpf ogt, %add3A_67, %gt3A_87 : vector<1024x128xf32>
    %select_n3A_89 = arith.select %gt3A_88, %add3A_67, %mul3A_85 : vector<1024x128xi1>, vector<1024x128xf32>
    %reduce_sum3A_90 = arith.constant dense<0.000000e+00> : vector<1024xf32>
    %reduce_sum3A_91 = vector.multi_reduction <add>, %select_n3A_89, %reduce_sum3A_90 [1] : vector<1024x128xf32> to vector<1024xf32>
    %broadcast_in_dim3A_92 = vector.shape_cast %reduce_sum3A_91 : vector<1024xf32> to vector<1024x1xf32>
    %div3A_93 = arith.constant 1.280000e+02 : f32
    %div3A_94 = vector.broadcast %div3A_93 : f32 to vector<1024x1xf32>
    %div3A_95 = arith.divf %broadcast_in_dim3A_92, %div3A_94 : vector<1024x1xf32>
    %mul3A_96 = arith.mulf %select_n3A_89, %select_n3A_89 : vector<1024x128xf32>
    %reduce_sum3A_97 = arith.constant dense<0.000000e+00> : vector<1024xf32>
    %reduce_sum3A_98 = vector.multi_reduction <add>, %mul3A_96, %reduce_sum3A_97 [1] : vector<1024x128xf32> to vector<1024xf32>
    %broadcast_in_dim3A_99 = vector.shape_cast %reduce_sum3A_98 : vector<1024xf32> to vector<1024x1xf32>
    %div3A_100 = arith.constant 1.280000e+02 : f32
    %div3A_101 = vector.broadcast %div3A_100 : f32 to vector<1024x1xf32>
    %div3A_102 = arith.divf %broadcast_in_dim3A_99, %div3A_101 : vector<1024x1xf32>
    %mul3A_103 = arith.mulf %div3A_95, %div3A_95 : vector<1024x1xf32>
    %sub3A_104 = arith.subf %div3A_102, %mul3A_103 : vector<1024x1xf32>
    %max3A_105 = arith.constant 0.000000e+00 : f32
    %max3A_106 = vector.broadcast %max3A_105 : f32 to vector<1024x1xf32>
    %max3A_107 = arith.maximumf %sub3A_104, %max3A_106 : vector<1024x1xf32>
    %sub3A_108 = vector.broadcast %div3A_95 : vector<1024x1xf32> to vector<1024x128xf32>
    %sub3A_109 = arith.subf %select_n3A_89, %sub3A_108 : vector<1024x128xf32>
    %add3A_110 = arith.constant 9.99999974E-6 : f32
    %add3A_111 = vector.broadcast %add3A_110 : f32 to vector<1024x1xf32>
    %add3A_112 = arith.addf %max3A_107, %add3A_111 : vector<1024x1xf32>
    %rsqrt3A_113 = math.rsqrt %add3A_112 : vector<1024x1xf32>
    %mul3A_114 = vector.broadcast %rsqrt3A_113 : vector<1024x1xf32> to vector<1024x128xf32>
    %mul3A_115 = arith.mulf %sub3A_109, %mul3A_114 : vector<1024x128xf32>
    %get3A_116 = arith.constant 0 : index
    %get3A_117 = arith.constant 1 : index
    %get3A_118 = arith.constant 0 : index
    %get3A_119 = arith.constant 0 : index
    %get3A_120 = vector.load %arg5[%get3A_116, %get3A_117, %get3A_118, %get3A_119] : memref<1x4x128x128xf32, #tpu.memory_space<vmem>>, vector<1x1x128x128xf32>
    %get3A_121 = vector.shape_cast %get3A_120 : vector<1x1x128x128xf32> to vector<128x128xf32>
    %dot_general3A_122 = arith.constant dense<0.000000e+00> : vector<1024x128xf32>
    %dot_general3A_123 = tpu.matmul %mul3A_115, %get3A_121, %dot_general3A_122 {dimension_numbers = #tpu.dot_dimension_numbers<[1], [1], [0], [0], [0, 0, 1, 0], [], []>, transpose_lhs_hint = false} : vector<1024x128xf32>, vector<128x128xf32>, vector<1024x128xf32> -> vector<1024x128xf32>
    %get3A_124 = arith.constant 0 : index
    %get3A_125 = arith.constant 1 : index
    %get3A_126 = arith.constant 0 : index
    %get3A_127 = vector.load %arg6[%get3A_124, %get3A_125, %get3A_126] : memref<1x4x128xf32, #tpu.memory_space<vmem>>, vector<1x1x128xf32>
    %get3A_128 = vector.shape_cast %get3A_127 : vector<1x1x128xf32> to vector<128xf32>
    %broadcast_in_dim3A_129 = vector.shape_cast %get3A_128 : vector<128xf32> to vector<1x128xf32>
    %add3A_130 = vector.broadcast %broadcast_in_dim3A_129 : vector<1x128xf32> to vector<1024x128xf32>
    %add3A_131 = arith.addf %dot_general3A_123, %add3A_130 : vector<1024x128xf32>
    %add3A_132 = arith.addf %add3A_131, %add3A_15 : vector<1024x128xf32>
    %mul3A_133 = arith.constant 184.664963 : f32
    %mul3A_134 = vector.broadcast %mul3A_133 : f32 to vector<1024x128xf32>
    %mul3A_135 = arith.mulf %add3A_132, %mul3A_134 : vector<1024x128xf32>
    %min3A_136 = arith.constant 184.664963 : f32
    %min3A_137 = vector.broadcast %min3A_136 : f32 to vector<1024x128xf32>
    %min3A_138 = arith.minimumf %mul3A_135, %min3A_137 : vector<1024x128xf32>
    %exp23A_139 = math.exp2 %min3A_138 : vector<1024x128xf32>
    %add3A_140 = arith.constant 1.000000e+00 : f32
    %add3A_141 = vector.broadcast %add3A_140 : f32 to vector<1024x128xf32>
    %add3A_142 = arith.addf %add3A_141, %exp23A_139 : vector<1024x128xf32>
    %log3A_143 = math.log %add3A_142 : vector<1024x128xf32>
    %log3A_144 = arith.constant 2.000000e+00 : f32
    %log3A_145 = math.log %log3A_144 : f32
    %div3A_146 = vector.broadcast %log3A_145 : f32 to vector<1024x128xf32>
    %div3A_147 = arith.divf %log3A_143, %div3A_146 : vector<1024x128xf32>
    %mul3A_148 = arith.constant 0.00541521236 : f32
    %mul3A_149 = vector.broadcast %mul3A_148 : f32 to vector<1024x128xf32>
    %mul3A_150 = arith.mulf %div3A_147, %mul3A_149 : vector<1024x128xf32>
    %gt3A_151 = arith.constant 1.000000e+00 : f32
    %gt3A_152 = vector.broadcast %gt3A_151 : f32 to vector<1024x128xf32>
    %gt3A_153 = arith.cmpf ogt, %add3A_132, %gt3A_152 : vector<1024x128xf32>
    %select_n3A_154 = arith.select %gt3A_153, %add3A_132, %mul3A_150 : vector<1024x128xi1>, vector<1024x128xf32>
    %reduce_sum3A_155 = arith.constant dense<0.000000e+00> : vector<1024xf32>
    %reduce_sum3A_156 = vector.multi_reduction <add>, %select_n3A_154, %reduce_sum3A_155 [1] : vector<1024x128xf32> to vector<1024xf32>
    %broadcast_in_dim3A_157 = vector.shape_cast %reduce_sum3A_156 : vector<1024xf32> to vector<1024x1xf32>
    %div3A_158 = arith.constant 1.280000e+02 : f32
    %div3A_159 = vector.broadcast %div3A_158 : f32 to vector<1024x1xf32>
    %div3A_160 = arith.divf %broadcast_in_dim3A_157, %div3A_159 : vector<1024x1xf32>
    %mul3A_161 = arith.mulf %select_n3A_154, %select_n3A_154 : vector<1024x128xf32>
    %reduce_sum3A_162 = arith.constant dense<0.000000e+00> : vector<1024xf32>
    %reduce_sum3A_163 = vector.multi_reduction <add>, %mul3A_161, %reduce_sum3A_162 [1] : vector<1024x128xf32> to vector<1024xf32>
    %broadcast_in_dim3A_164 = vector.shape_cast %reduce_sum3A_163 : vector<1024xf32> to vector<1024x1xf32>
    %div3A_165 = arith.constant 1.280000e+02 : f32
    %div3A_166 = vector.broadcast %div3A_165 : f32 to vector<1024x1xf32>
    %div3A_167 = arith.divf %broadcast_in_dim3A_164, %div3A_166 : vector<1024x1xf32>
    %mul3A_168 = arith.mulf %div3A_160, %div3A_160 : vector<1024x1xf32>
    %sub3A_169 = arith.subf %div3A_167, %mul3A_168 : vector<1024x1xf32>
    %max3A_170 = arith.constant 0.000000e+00 : f32
    %max3A_171 = vector.broadcast %max3A_170 : f32 to vector<1024x1xf32>
    %max3A_172 = arith.maximumf %sub3A_169, %max3A_171 : vector<1024x1xf32>
    %sub3A_173 = vector.broadcast %div3A_160 : vector<1024x1xf32> to vector<1024x128xf32>
    %sub3A_174 = arith.subf %select_n3A_154, %sub3A_173 : vector<1024x128xf32>
    %add3A_175 = arith.constant 9.99999974E-6 : f32
    %add3A_176 = vector.broadcast %add3A_175 : f32 to vector<1024x1xf32>
    %add3A_177 = arith.addf %max3A_172, %add3A_176 : vector<1024x1xf32>
    %rsqrt3A_178 = math.rsqrt %add3A_177 : vector<1024x1xf32>
    %mul3A_179 = vector.broadcast %rsqrt3A_178 : vector<1024x1xf32> to vector<1024x128xf32>
    %mul3A_180 = arith.mulf %sub3A_174, %mul3A_179 : vector<1024x128xf32>
    %get3A_181 = arith.constant 0 : index
    %get3A_182 = arith.constant 2 : index
    %get3A_183 = arith.constant 0 : index
    %get3A_184 = arith.constant 0 : index
    %get3A_185 = vector.load %arg5[%get3A_181, %get3A_182, %get3A_183, %get3A_184] : memref<1x4x128x128xf32, #tpu.memory_space<vmem>>, vector<1x1x128x128xf32>
    %get3A_186 = vector.shape_cast %get3A_185 : vector<1x1x128x128xf32> to vector<128x128xf32>
    %dot_general3A_187 = arith.constant dense<0.000000e+00> : vector<1024x128xf32>
    %dot_general3A_188 = tpu.matmul %mul3A_180, %get3A_186, %dot_general3A_187 {dimension_numbers = #tpu.dot_dimension_numbers<[1], [1], [0], [0], [0, 0, 1, 0], [], []>, transpose_lhs_hint = false} : vector<1024x128xf32>, vector<128x128xf32>, vector<1024x128xf32> -> vector<1024x128xf32>
    %get3A_189 = arith.constant 0 : index
    %get3A_190 = arith.constant 2 : index
    %get3A_191 = arith.constant 0 : index
    %get3A_192 = vector.load %arg6[%get3A_189, %get3A_190, %get3A_191] : memref<1x4x128xf32, #tpu.memory_space<vmem>>, vector<1x1x128xf32>
    %get3A_193 = vector.shape_cast %get3A_192 : vector<1x1x128xf32> to vector<128xf32>
    %broadcast_in_dim3A_194 = vector.shape_cast %get3A_193 : vector<128xf32> to vector<1x128xf32>
    %add3A_195 = vector.broadcast %broadcast_in_dim3A_194 : vector<1x128xf32> to vector<1024x128xf32>
    %add3A_196 = arith.addf %dot_general3A_188, %add3A_195 : vector<1024x128xf32>
    %mul3A_197 = arith.constant 184.664963 : f32
    %mul3A_198 = vector.broadcast %mul3A_197 : f32 to vector<1024x128xf32>
    %mul3A_199 = arith.mulf %add3A_196, %mul3A_198 : vector<1024x128xf32>
    %min3A_200 = arith.constant 184.664963 : f32
    %min3A_201 = vector.broadcast %min3A_200 : f32 to vector<1024x128xf32>
    %min3A_202 = arith.minimumf %mul3A_199, %min3A_201 : vector<1024x128xf32>
    %exp23A_203 = math.exp2 %min3A_202 : vector<1024x128xf32>
    %add3A_204 = arith.constant 1.000000e+00 : f32
    %add3A_205 = vector.broadcast %add3A_204 : f32 to vector<1024x128xf32>
    %add3A_206 = arith.addf %add3A_205, %exp23A_203 : vector<1024x128xf32>
    %log3A_207 = math.log %add3A_206 : vector<1024x128xf32>
    %log3A_208 = arith.constant 2.000000e+00 : f32
    %log3A_209 = math.log %log3A_208 : f32
    %div3A_210 = vector.broadcast %log3A_209 : f32 to vector<1024x128xf32>
    %div3A_211 = arith.divf %log3A_207, %div3A_210 : vector<1024x128xf32>
    %mul3A_212 = arith.constant 0.00541521236 : f32
    %mul3A_213 = vector.broadcast %mul3A_212 : f32 to vector<1024x128xf32>
    %mul3A_214 = arith.mulf %div3A_211, %mul3A_213 : vector<1024x128xf32>
    %gt3A_215 = arith.constant 1.000000e+00 : f32
    %gt3A_216 = vector.broadcast %gt3A_215 : f32 to vector<1024x128xf32>
    %gt3A_217 = arith.cmpf ogt, %add3A_196, %gt3A_216 : vector<1024x128xf32>
    %select_n3A_218 = arith.select %gt3A_217, %add3A_196, %mul3A_214 : vector<1024x128xi1>, vector<1024x128xf32>
    %reduce_sum3A_219 = arith.constant dense<0.000000e+00> : vector<1024xf32>
    %reduce_sum3A_220 = vector.multi_reduction <add>, %select_n3A_218, %reduce_sum3A_219 [1] : vector<1024x128xf32> to vector<1024xf32>
    %broadcast_in_dim3A_221 = vector.shape_cast %reduce_sum3A_220 : vector<1024xf32> to vector<1024x1xf32>
    %div3A_222 = arith.constant 1.280000e+02 : f32
    %div3A_223 = vector.broadcast %div3A_222 : f32 to vector<1024x1xf32>
    %div3A_224 = arith.divf %broadcast_in_dim3A_221, %div3A_223 : vector<1024x1xf32>
    %mul3A_225 = arith.mulf %select_n3A_218, %select_n3A_218 : vector<1024x128xf32>
    %reduce_sum3A_226 = arith.constant dense<0.000000e+00> : vector<1024xf32>
    %reduce_sum3A_227 = vector.multi_reduction <add>, %mul3A_225, %reduce_sum3A_226 [1] : vector<1024x128xf32> to vector<1024xf32>
    %broadcast_in_dim3A_228 = vector.shape_cast %reduce_sum3A_227 : vector<1024xf32> to vector<1024x1xf32>
    %div3A_229 = arith.constant 1.280000e+02 : f32
    %div3A_230 = vector.broadcast %div3A_229 : f32 to vector<1024x1xf32>
    %div3A_231 = arith.divf %broadcast_in_dim3A_228, %div3A_230 : vector<1024x1xf32>
    %mul3A_232 = arith.mulf %div3A_224, %div3A_224 : vector<1024x1xf32>
    %sub3A_233 = arith.subf %div3A_231, %mul3A_232 : vector<1024x1xf32>
    %max3A_234 = arith.constant 0.000000e+00 : f32
    %max3A_235 = vector.broadcast %max3A_234 : f32 to vector<1024x1xf32>
    %max3A_236 = arith.maximumf %sub3A_233, %max3A_235 : vector<1024x1xf32>
    %sub3A_237 = vector.broadcast %div3A_224 : vector<1024x1xf32> to vector<1024x128xf32>
    %sub3A_238 = arith.subf %select_n3A_218, %sub3A_237 : vector<1024x128xf32>
    %add3A_239 = arith.constant 9.99999974E-6 : f32
    %add3A_240 = vector.broadcast %add3A_239 : f32 to vector<1024x1xf32>
    %add3A_241 = arith.addf %max3A_236, %add3A_240 : vector<1024x1xf32>
    %rsqrt3A_242 = math.rsqrt %add3A_241 : vector<1024x1xf32>
    %mul3A_243 = vector.broadcast %rsqrt3A_242 : vector<1024x1xf32> to vector<1024x128xf32>
    %mul3A_244 = arith.mulf %sub3A_238, %mul3A_243 : vector<1024x128xf32>
    %get3A_245 = arith.constant 0 : index
    %get3A_246 = arith.constant 3 : index
    %get3A_247 = arith.constant 0 : index
    %get3A_248 = arith.constant 0 : index
    %get3A_249 = vector.load %arg5[%get3A_245, %get3A_246, %get3A_247, %get3A_248] : memref<1x4x128x128xf32, #tpu.memory_space<vmem>>, vector<1x1x128x128xf32>
    %get3A_250 = vector.shape_cast %get3A_249 : vector<1x1x128x128xf32> to vector<128x128xf32>
    %dot_general3A_251 = arith.constant dense<0.000000e+00> : vector<1024x128xf32>
    %dot_general3A_252 = tpu.matmul %mul3A_244, %get3A_250, %dot_general3A_251 {dimension_numbers = #tpu.dot_dimension_numbers<[1], [1], [0], [0], [0, 0, 1, 0], [], []>, transpose_lhs_hint = false} : vector<1024x128xf32>, vector<128x128xf32>, vector<1024x128xf32> -> vector<1024x128xf32>
    %get3A_253 = arith.constant 0 : index
    %get3A_254 = arith.constant 3 : index
    %get3A_255 = arith.constant 0 : index
    %get3A_256 = vector.load %arg6[%get3A_253, %get3A_254, %get3A_255] : memref<1x4x128xf32, #tpu.memory_space<vmem>>, vector<1x1x128xf32>
    %get3A_257 = vector.shape_cast %get3A_256 : vector<1x1x128xf32> to vector<128xf32>
    %broadcast_in_dim3A_258 = vector.shape_cast %get3A_257 : vector<128xf32> to vector<1x128xf32>
    %add3A_259 = vector.broadcast %broadcast_in_dim3A_258 : vector<1x128xf32> to vector<1024x128xf32>
    %add3A_260 = arith.addf %dot_general3A_252, %add3A_259 : vector<1024x128xf32>
    %add3A_261 = arith.addf %add3A_260, %add3A_132 : vector<1024x128xf32>
    %mul3A_262 = arith.constant 184.664963 : f32
    %mul3A_263 = vector.broadcast %mul3A_262 : f32 to vector<1024x128xf32>
    %mul3A_264 = arith.mulf %add3A_261, %mul3A_263 : vector<1024x128xf32>
    %min3A_265 = arith.constant 184.664963 : f32
    %min3A_266 = vector.broadcast %min3A_265 : f32 to vector<1024x128xf32>
    %min3A_267 = arith.minimumf %mul3A_264, %min3A_266 : vector<1024x128xf32>
    %exp23A_268 = math.exp2 %min3A_267 : vector<1024x128xf32>
    %add3A_269 = arith.constant 1.000000e+00 : f32
    %add3A_270 = vector.broadcast %add3A_269 : f32 to vector<1024x128xf32>
    %add3A_271 = arith.addf %add3A_270, %exp23A_268 : vector<1024x128xf32>
    %log3A_272 = math.log %add3A_271 : vector<1024x128xf32>
    %log3A_273 = arith.constant 2.000000e+00 : f32
    %log3A_274 = math.log %log3A_273 : f32
    %div3A_275 = vector.broadcast %log3A_274 : f32 to vector<1024x128xf32>
    %div3A_276 = arith.divf %log3A_272, %div3A_275 : vector<1024x128xf32>
    %mul3A_277 = arith.constant 0.00541521236 : f32
    %mul3A_278 = vector.broadcast %mul3A_277 : f32 to vector<1024x128xf32>
    %mul3A_279 = arith.mulf %div3A_276, %mul3A_278 : vector<1024x128xf32>
    %gt3A_280 = arith.constant 1.000000e+00 : f32
    %gt3A_281 = vector.broadcast %gt3A_280 : f32 to vector<1024x128xf32>
    %gt3A_282 = arith.cmpf ogt, %add3A_261, %gt3A_281 : vector<1024x128xf32>
    %select_n3A_283 = arith.select %gt3A_282, %add3A_261, %mul3A_279 : vector<1024x128xi1>, vector<1024x128xf32>
    %get3A_284 = arith.constant 0 : index
    %get3A_285 = arith.constant 0 : index
    %get3A_286 = arith.constant 0 : index
    %get3A_287 = vector.load %arg7[%get3A_284, %get3A_285, %get3A_286] : memref<1x1x128xf32, #tpu.memory_space<vmem>>, vector<1x1x128xf32>
    %get3A_288 = vector.shape_cast %get3A_287 : vector<1x1x128xf32> to vector<1x128xf32>
    %dot_general3A_289 = arith.constant dense<0.000000e+00> : vector<1x1024xf32>
    %dot_general3A_290 = tpu.matmul %get3A_288, %select_n3A_283, %dot_general3A_289 {dimension_numbers = #tpu.dot_dimension_numbers<[1], [1], [0], [0], [0, 0, 1, 0], [], []>, transpose_lhs_hint = false} : vector<1x128xf32>, vector<1024x128xf32>, vector<1x1024xf32> -> vector<1x1024xf32>
    %get3A_291 = arith.index_cast %get3A_0 : i32 to index
    %get3A_292 = arith.constant 0 : index
    %get3A_293 = memref.load %arg8[%get3A_291, %get3A_292] : memref<8x1xf32, #tpu.memory_space<smem>>
    %add3A_294 = vector.broadcast %get3A_293 : f32 to vector<1x1024xf32>
    %add3A_295 = arith.addf %dot_general3A_290, %add3A_294 : vector<1x1024xf32>
    %swap3A = arith.constant 0 : index
    %swap3A_296 = arith.constant 0 : index
    %swap3A_297 = arith.constant 0 : index
    %swap3A_298 = vector.load %arg9[%swap3A, %swap3A_296, %swap3A_297] : memref<1x1x1024xf32, #tpu.memory_space<vmem>>, vector<1x1x1024xf32>
    %swap3A_299 = vector.shape_cast %swap3A_298 : vector<1x1x1024xf32> to vector<1x1024xf32>
    %swap3A_300 = vector.shape_cast %add3A_295 : vector<1x1024xf32> to vector<1x1x1024xf32>
    tpu.vector_store %arg9[%swap3A, %swap3A_296, %swap3A_297], %swap3A_300 {strides = array<i32>} : memref<1x1x1024xf32, #tpu.memory_space<vmem>>, vector<1x1x1024xf32>,
    return
  }
  func.func @transform_0(%arg0: i32, %arg1: memref<40xi32, #tpu.memory_space<smem>>) -> (i32, i32) {
    %c0_i32 = arith.constant 0 : i32
    %c0_i32_0 = arith.constant 0 : i32
    return %arg0, %c0_i32 : i32, i32
  }
  func.func @transform_1(%arg0: i32, %arg1: memref<40xi32, #tpu.memory_space<smem>>) -> (i32, i32, i32) {
    %get3A = arith.index_cast %arg0 : i32 to index
    %get3A_0 = memref.load %arg1[%get3A] : memref<40xi32, #tpu.memory_space<smem>>
    %c0_i32 = arith.constant 0 : i32
    %c0_i32_1 = arith.constant 0 : i32
    %c0_i32_2 = arith.constant 0 : i32
    return %get3A_0, %c0_i32, %c0_i32_1 : i32, i32, i32
  }
  func.func @transform_2(%arg0: i32, %arg1: memref<40xi32, #tpu.memory_space<smem>>) -> (i32, i32, i32) {
    %get3A = arith.index_cast %arg0 : i32 to index
    %get3A_0 = memref.load %arg1[%get3A] : memref<40xi32, #tpu.memory_space<smem>>
    %c0_i32 = arith.constant 0 : i32
    %c0_i32_1 = arith.constant 0 : i32
    %c0_i32_2 = arith.constant 0 : i32
    return %get3A_0, %c0_i32, %c0_i32_1 : i32, i32, i32
  }
  func.func @transform_3(%arg0: i32, %arg1: memref<40xi32, #tpu.memory_space<smem>>) -> (i32, i32, i32, i32) {
    %get3A = arith.index_cast %arg0 : i32 to index
    %get3A_0 = memref.load %arg1[%get3A] : memref<40xi32, #tpu.memory_space<smem>>
    %c0_i32 = arith.constant 0 : i32
    %c0_i32_1 = arith.constant 0 : i32
    %c0_i32_2 = arith.constant 0 : i32
    %c0_i32_3 = arith.constant 0 : i32
    return %get3A_0, %c0_i32, %c0_i32_1, %c0_i32_2 : i32, i32, i32, i32
  }
  func.func @transform_4(%arg0: i32, %arg1: memref<40xi32, #tpu.memory_space<smem>>) -> (i32, i32, i32) {
    %get3A = arith.index_cast %arg0 : i32 to index
    %get3A_0 = memref.load %arg1[%get3A] : memref<40xi32, #tpu.memory_space<smem>>
    %c0_i32 = arith.constant 0 : i32
    %c0_i32_1 = arith.constant 0 : i32
    %c0_i32_2 = arith.constant 0 : i32
    return %get3A_0, %c0_i32, %c0_i32_1 : i32, i32, i32
  }
  func.func @transform_5(%arg0: i32, %arg1: memref<40xi32, #tpu.memory_space<smem>>) -> (i32, i32, i32) {
    %get3A = arith.index_cast %arg0 : i32 to index
    %get3A_0 = memref.load %arg1[%get3A] : memref<40xi32, #tpu.memory_space<smem>>
    %c0_i32 = arith.constant 0 : i32
    %c0_i32_1 = arith.constant 0 : i32
    %c0_i32_2 = arith.constant 0 : i32
    return %get3A_0, %c0_i32, %c0_i32_1 : i32, i32, i32
  }
  func.func @transform_6(%arg0: i32, %arg1: memref<40xi32, #tpu.memory_space<smem>>) -> (i32, i32) {
    %c0_i32 = arith.constant 0 : i32
    %c0_i32_0 = arith.constant 0 : i32
    %c0_i32_1 = arith.constant 0 : i32
    return %c0_i32, %c0_i32_0 : i32, i32
  }
  func.func @transform_7(%arg0: i32, %arg1: memref<40xi32, #tpu.memory_space<smem>>) -> (i32, i32, i32) {
    %c0_i32 = arith.constant 0 : i32
    %c0_i32_0 = arith.constant 0 : i32
    %c0_i32_1 = arith.constant 0 : i32
    return %arg0, %c0_i32, %c0_i32_0 : i32, i32, i32
  }
}

</mosaic_0001>

<sc_bundles>
// kernel: kernel.5.cloned.1.call-start
scs
__scs_entry_jumppad:
0x0: {  	(pc) =	sbr.rel $0x88, $3  }
0x1: {  	(tag) =	ssettag $0x0;
	lr =	simm.s32 $0x1  }
0x2: {  	[smem:$0x3F97] =	sst lr;
	_ =	strace $0xD0000000  }
0x3: {  	_ = 	snop  }
0x4: {  	_ = 	snop  }
0x5: {  	_ = 	snop  }
0x6: {  	_ = 	snop  }
0x7: {  	_ = 	snop  }
__scs_overlays_trampoline_lowered:
0x8: {  	[smem:$0x3FA6] =	sst s0  }
0x9: {  	[smem:$0x3FA7] =	sst s1  }
0xa: {  	[smem:$0x3FA8] =	sst s2  }
0xb: {  	[smem:$0x3FA9] =	sst s3  }
0xc: {  	[smem:$0x3FAA] =	sst s4  }
0xd: {  	[smem:$0x3FAB] =	sst s5  }
0xe: {  	[smem:$0x3FAC] =	sst s6  }
0xf: {  	[smem:$0x3FAD] =	sst s7  }
0x10: {  	[smem:$0x3FAE] =	sst s8  }
0x11: {  	[smem:$0x3FAF] =	sst s9;
	s0 =	simm.s32 @!p0 $0x0  }
0x12: {  	s1 =	sld [smem:$0x3F95];
	s0 =	simm.s32 @p0 $0x1  }
0x13: {  	[smem:$0x3FB0] =	sst s0;
	s0 =	simm.s32 @!p1 $0x0  }
0x14: {  	s2 =	sld [smem:$0x3F94];
	s0 =	simm.s32 @p1 $0x1  }
0x15: {  	[smem:$0x3FB1] =	sst s0;
	s0 =	simm.s32 @!p2 $0x0  }
0x16: {  	s3 =	sld [smem:$0x3FDB];
	s0 =	simm.s32 @p2 $0x1  }
0x17: {  	s4 =	simm.s32 $0x1BF5;
	[smem:$0x3FB3] =	sst s0  }
0x18: {  	s0 =	sld [smem:$0x3F96];
	_ =	swait.ge [sflag:s4], $0x0  }
0x19: {  	s7 =	sld [smem:$0x3F97]  }
0x1a: {  	s8 =	sadd.s32 $0xFFFFE003, lr  }
0x1b: {  	s9 =	sadd.s32 $0xFFFFFEF7, lr;
	s5 =	simm.s32 $0xFFFFFFFF;
	p2 =	slt.u32 s8, $0xFFFFF086  }
0x1c: {  	p1 =	slt.u32 s9, $0xF7A;
	s5 =	simm.s32 @!p2 $0x0  }
0x1d: {  	s5 =	simm.s32 @p1 $0x1;
	p0 =	seq.s32 s7, s2  }
0x1e: {  	s7 =	smul.u32 @!p0 $0xF7A, s2;
	p2 =	seq.s32 @!p0 s5, $0x0  }
0x1f: {  	s9 =	smul.u32 $0xF7A, s1;
	s8 =	simm.s32 @!p0 $0x1BF5;
	p2 =	por !p2, p0  }
0x20: {  	[sflag:s8] =	ssyncset.s32 @!p0 $0xFFFFF086;
	s6 =	sadd.s32 @!p0 s3, s7;
	s7 =	simm.s32 @!p0 $0x108  }
0x21: {  	s3 =	sadd.s32 s3, s9;
	s6 =	sadd.s32 @!p0 $0x88, s6;
	s7 =	simm.s32 @p2 $0x1082  }
0x22: {  	[simem:s7], [sflag:s8] =	dma.local @!p0 [hbm:s6], $0xF7A  }
0x23: {  	s9 =	sor.u32 $0xD0000000, s2;
	s6 =	simm.s32 $0x108;
	_ =	swait.ge @!p0 [sflag:s8], $0x0  }
0x24: {  	s3 =	sadd.s32 $0x88, s3;
	s6 =	simm.s32 @!p1 $0x1082;
	[sflag:s4] =	ssyncset.s32 $0xFFFFF086  }
0x25: {  	[simem:s6], [sflag:s4] =	dma.local [hbm:s3], $0xF7A  }
0x26: {  	[smem:$0x3F97] =	sst s1;
	(tag) =	ssettag s2;
	_ =	strace s9  }
0x27: {  	s1 =	sld [smem:$0x3FA7]  }
0x28: {  	s2 =	sld [smem:$0x3FA8]  }
0x29: {  	s4 =	sld [smem:$0x3FAA]  }
0x2a: {  	p0 =	seq.s32 s5, $0x0;
	s5 =	sld [smem:$0x3FAB]  }
0x2b: {  	s6 =	sld [smem:$0x3FAC]  }
0x2c: {  	s7 =	sld [smem:$0x3FAD]  }
0x2d: {  	s3 =	simm.s32 $0x108;
	s8 =	sld [smem:$0x3FAE]  }
0x2e: {  	s3 =	simm.s32 @!p0 $0x1082;
	s9 =	sld [smem:$0x3FAF]  }
0x2f: {  	lr =	sadd.s32 s0, s3;
	s0 =	sld [smem:$0x3FA6]  }
0x30: {  	s3 =	sld [smem:$0x3FA9]  }
0x31: {  	[smem:$0x3FB2] =	sst s10  }
0x32: {  	s10 =	sld [smem:$0x3FB0];
	_ =	sdelay $0x3  }
0x33: {  	p0 =	seq.s32 s10, $0x1;
	s10 =	sld [smem:$0x3FB2];
	_ =	sdelay $0x3  }
0x34: {  	[smem:$0x3FB2] =	sst s10  }
0x35: {  	s10 =	sld [smem:$0x3FB1];
	_ =	sdelay $0x3  }
0x36: {  	p1 =	seq.s32 s10, $0x1;
	s10 =	sld [smem:$0x3FB2];
	_ =	sdelay $0x3  }
0x37: {  	[smem:$0x3FB2] =	sst s10  }
0x38: {  	s10 =	sld [smem:$0x3FB3]  }
0x39: {  	_ = 	snop;
	(pc) =	sbr.ind lr, $3  }
0x3a: {  	_ = 	snop  }
0x3b: {  	_ = 	snop  }
0x3c: {  	p2 =	seq.s32 s10, $0x1;
	s10 =	sld [smem:$0x3FB2]  }
0x3d: {  	_ =	shalt  }
0x3e: {  	_ =	shalt  }
0x3f: {  	_ =	shalt  }
0x40: {  	_ =	shalt  }
0x41: {  	_ =	shalt  }
0x42: {  	_ =	shalt  }
0x43: {  	_ =	shalt  }
0x44: {  	_ =	shalt  }
0x45: {  	_ =	shalt  }
0x46: {  	_ =	shalt  }
0x47: {  	_ =	shalt  }
0x48: {  	_ =	shalt  }
0x49: {  	_ =	shalt  }
0x4a: {  	_ =	shalt  }
0x4b: {  	_ =	shalt  }
0x4c: {  	_ =	shalt  }
0x4d: {  	_ =	shalt  }
0x4e: {  	_ =	shalt  }
0x4f: {  	_ =	shalt  }
0x50: {  	_ =	shalt  }
0x51: {  	_ =	shalt  }
0x52: {  	_ =	shalt  }
0x53: {  	_ =	shalt  }
0x54: {  	_ =	shalt  }
0x55: {  	_ =	shalt  }
0x56: {  	_ =	shalt  }
0x57: {  	_ =	shalt  }
0x58: {  	_ =	shalt  }
0x59: {  	_ =	shalt  }
0x5a: {  	_ =	shalt  }
0x5b: {  	_ =	shalt  }
0x5c: {  	_ =	shalt  }
0x5d: {  	_ =	shalt  }
0x5e: {  	_ =	shalt  }
0x5f: {  	_ =	shalt  }
0x60: {  	_ =	shalt  }
0x61: {  	_ =	shalt  }
0x62: {  	_ =	shalt  }
0x63: {  	_ =	shalt  }
0x64: {  	_ =	shalt  }
0x65: {  	_ =	shalt  }
0x66: {  	_ =	shalt  }
0x67: {  	_ =	shalt  }
0x68: {  	_ =	shalt  }
0x69: {  	_ =	shalt  }
0x6a: {  	_ =	shalt  }
0x6b: {  	_ =	shalt  }
0x6c: {  	_ =	shalt  }
0x6d: {  	_ =	shalt  }
0x6e: {  	_ =	shalt  }
0x6f: {  	_ =	shalt  }
0x70: {  	_ =	shalt  }
0x71: {  	_ =	shalt  }
0x72: {  	_ =	shalt  }
0x73: {  	_ =	shalt  }
0x74: {  	_ =	shalt  }
0x75: {  	_ =	shalt  }
0x76: {  	_ =	shalt  }
0x77: {  	_ =	shalt  }
0x78: {  	_ =	shalt  }
0x79: {  	_ =	shalt  }
0x7a: {  	_ =	shalt  }
0x7b: {  	_ =	shalt  }
0x7c: {  	_ =	shalt  }
0x7d: {  	_ =	shalt  }
0x7e: {  	_ =	shalt  }
0x7f: {  	_ =	shalt  }
0x80: {  	_ =	shalt  }
0x81: {  	_ =	shalt  }
0x82: {  	_ =	shalt  }
0x83: {  	_ =	shalt  }
0x84: {  	_ =	shalt  }
0x85: {  	_ =	shalt  }
0x86: {  	_ =	shalt  }
0x87: {  	_ =	shalt  }
.Lfunc_end0:
.L_simem_size_0:
called_computation_lowered:
.L_overlay_start_0:
0x88: {  	s2 =	sld [smem:$0x3FD9]  }
0x89: {  	s3 =	sld [smem:$0x3FFE];
	_ =	sdelay $0x1  }
0x8a: {  	s1 =	srdreg.scid  }
0x8b: {  	s0 =	sand.u32 $0x1, s1  }
0x8c: {  	s17 =	sshll.u32 s0, $0xA;
	s2 =	sadd.s32 s3, s2  }
0x8d: {  	s2 =	sadd.s32 s2, s17  }
0x8e: {  	[smem:$0x3FBE] =	sst s2  }
0x8f: {  	_ = 	snop  }
0x90: {  	s2 =	sld [smem:$0x3FC9];
	(tm) =	ssettm $0x1  }
0x91: {  	s18 =	sld [smem:$0x3FFB];
	_ =	sdelay $0x3  }
0x92: {  	_ =	strace s18  }
0x93: {  	s3 =	sld [smem:$0x3FFC];
	_ =	sdelay $0x3  }
0x94: {  	_ =	strace s3  }
0x95: {  	s3 =	sld [smem:$0x3FFD];
	_ =	sdelay $0x3  }
0x96: {  	_ =	strace s3  }
0x97: {  	_ =	strace $0x8FFFFFFF  }
0x98: {  	s19 =	sld [smem:$0x3FDB];
	_ =	sdelay $0x1  }
0x99: {  	s4 =	simm.s32 $_scs_section_size  }
0x9a: {  	s5 =	simm.s32 $_size__tile_overlayer_lowered;
	s6 =	simm.s32 $_tile_overlayer_lowered  }
0x9b: {  	s22 =	simm.s32 $0x1BFF;
	s21 =	sshll.u32 s6, $0x1;
	s3 =	sadd.s32 s4, s19  }
0x9c: {  	s7 =	simm.s32 $0x0;
	s20 =	sshll.u32 s5, $0x1;
	s5 =	sadd.s32 s21, s3  }
0x9d: {  	[timem:s7], [sflag:s22] =	dma.local [hbm:s5], s20  }
0x9e: {  	_ =	swait.ge [sflag:s22], s20  }
0x9f: {  	s4 =	ssub.s32 $0x0, s20;
	[sflag:s22] =	ssyncset.done $0x0  }
0xa0: {  	[sflag:s22] =	ssyncadd.s32 s4;
	_ =	sdelay $0x1  }
0xa1: {  	s23 =	simm.s32 $0x1B8B  }
0xa2: {  	_ =	swait.ge [sflag:s23], $0x1  }
0xa3: {  	[sflag:s23] =	ssyncset.done $0x0  }
0xa4: {  	s25 =	simm.s32 $0x1B8E;
	s24 =	sld [smem:$0x3FFE];
	[sflag:s23] =	ssyncadd.s32 $0xFFFFFFFF  }
0xa5: {  	s26 =	simm.s32 $execute0_lowered;
	[smem:$0x3FD2] =	sst s25  }
0xa6: {  	s5 =	sshll.u32 s26, $0x1;
	_ =	strace $0x80000046;
	[dreg:$0x1] =	wrdreg $0xFFFFFFFF  }
0xa7: {  	s28 =	simm.s32 $_size_execute0_lowered;
	s3 =	sadd.s32 s3, s5;
	[dreg:$0x0] =	wrdreg $0x0  }
0xa8: {  	s5 =	sshll.u32 s28, $0x1;
	[dreg:$0x2] =	wrdreg s3  }
0xa9: {  	[dreg:$0x3] =	wrdreg s5  }
0xaa: {  	[dreg:$0x4] =	wrdreg $0xC0  }
0xab: {  	_ =	task [dreg:s7], $0x5FFFF  }
0xac: {  	[dreg:$0x1] =	wrdreg $0xFFFFFFFF  }
0xad: {  	[dreg:$0x0] =	wrdreg $0x60  }
0xae: {  	[dreg:$0x2] =	wrdreg s2  }
0xaf: {  	[dreg:$0x3] =	wrdreg s24  }
0xb0: {  	[dreg:$0x4] =	wrdreg $0x9  }
0xb1: {  	_ =	task.clear_ibuf [dreg:s7], $0x5FFFF;
	_ =	strace $0x90000046  }
0xb2: {  	s29 =	simm.s32 $0x9;
	_ =	strace $0x80000048  }
0xb3: {  	_ =	swait.ge [sflag:s29], $0x1  }
0xb4: {  	[sflag:s29] =	ssyncadd.s32 $0xFFFFFFFF  }
0xb5: {  	_ =	strace $0x90000048  }
0xb6: {  	_ =	sfence  }
0xb7: {  	s30 =	sld [smem:$0x0];
	_ =	sdelay $0x2  }
0xb8: {  	s31 =	sshll.u32 s1, $0xD;
	s1 =	sshrl.u32 s1, $0x2  }
0xb9: {  	s3 =	sand.u32 $0x4000, s31;
	s1 =	sadd.s32 s1, s30  }
0xba: {  	s0 =	sor.u32 s3, s0;
	s1 =	sshll.u32 s1, $0x11  }
0xbb: {  	s0 =	sor.u32 s1, s0  }
0xbc: {  	s0 =	sadd.s32 $0x8F2B, s0  }
0xbd: {  	[sflag:s0] =	ssyncadd.remote.s32 $0x1  }
0xbe: {  	_ =	sfence.sel $0xFFFF  }
0xbf: {  	[dreg:$0x0] =	wrdreg $0xFFFFFFFF;
	(pc) =	sbr.abs _section_cstart, $3  }
0xc0: {  	[dreg:$0x1] =	wrdreg $0xFFFFFFFF  }
0xc1: {  	_ =	task.clear_ibuf [dreg:s7], $0x2FFFF;
	_ =	strace $0x9FFFFFFF  }
0xc2: {  	(tm) =	ssettm $0x7FFFFFFF  }
0xc3: {  	_ =	shalt  }
tec
execute0_lowered:
.L_overlay_start_1:
0x0: {  	(tag) =	ssettag $0x1  }
0x1: {  	s1 =	srdreg.scid  }
0x2: {  	s0 =	stileid.u32;
	s1 =	sand.u32 $0x1, s1  }
0x3: {  	s2 =	sshll.u32 s0, $0xB;
	s4 =	sshll.u32 s1, $0xA  }
0x4: {  	s3 =	rddreg [dreg:$0x0];
	s4 =	sor.u32 s4, s2  }
0x5: {  	s8 =	rddreg [dreg:$0x1];
	s5 =	sshrl.u32 s4, $0x3  }
0x6: {  	s2 =	simm.s32 $0x0;
	s4 =	sshll.u32 s4, $0x4;
	s5 =	sadd.s32 s5, s8  }
0x7: {  	[smem:$0x7FF] =	sst s2;
	s3 =	sadd.s32 s3, s4;
	s5 =	sadd.s32 $0x600, s5  }
0x8: {  	_ =	strace $0x80000047;
	s4 =	sadd.s32 $0x800, s3;
	[dreg:$0x3] =	wrdreg s5  }
0x9: {  	[dreg:$0x4] =	wrdreg s4  }
0xa: {  	s4 =	simm.s32 $0x9;
	s5 =	rddreg [dreg:$0x3]  }
0xb: {  	[tilespmem:s2], [sflag:$0x9] =	stream.linear.gather [hbm4b:s5+s2], $0x400, $0x38;
	[tilespmem:$0x10400] =	vst v63  }
0xc: {  	_ =	swait.ge [sflag:s4], $0x400  }
0xd: {  	[sflag:s4] =	ssyncset.done $0x0  }
0xe: {  	s5 =	simm.s32 $0x400;
	[sflag:s4] =	ssyncadd.s32 $0xFFFFFC00  }
0xf: {  	[tilespmem:s5], [sflag:$0x1] =	stream.linear.gather [hbm4b:s3+s2], $0x4000, $0x38;
	[tilespmem:$0x10400] =	vst v63  }
0x10: {  	s6 =	simm.s32 $0x4400;
	s7 =	simm.s32 $0x1;
	s9 =	rddreg [dreg:$0x4]  }
0x11: {  	[tilespmem:s6], [sflag:$0x2] =	stream.linear.gather [hbm4b:s9+s2], $0x4000, $0x38;
	[tilespmem:$0x10400] =	vst v63  }
0x12: {  	_ =	swait.ge [sflag:s7], $0x4000  }
0x13: {  	[sflag:s7] =	ssyncset.done $0x0  }
0x14: {  	s8 =	sadd.s32 $0x1600, s8;
	s9 =	simm.s32 $0x80;
	[sflag:s7] =	ssyncadd.s32 $0xFFFFC000  }
0x15: {  	[hbm4b:s8+s9] =	stream.indirect.scatter [tilespmem:s5], [sflag:$0x5], $0x80, s2, s9, $0xb8;
	[tilespmem:$0x10400] =	vst v63  }
0x16: {  	s11 =	simm.s32 $0x8400;
	s12 =	simm.s32 $0x2;
	s10 =	sadd.s32 $0x1000, s3  }
0x17: {  	[tilespmem:s11], [sflag:$0x3] =	stream.linear.gather [hbm4b:s10+s2], $0x4000, $0x38;
	[tilespmem:$0x10400] =	vst v63  }
0x18: {  	_ =	swait.ge [sflag:s12], $0x4000  }
0x19: {  	[sflag:s12] =	ssyncset.done $0x0  }
0x1a: {  	[sflag:s12] =	ssyncadd.s32 $0xFFFFC000  }
0x1b: {  	[hbm4b:s8+s9] =	stream.indirect.scatter [tilespmem:s6], [sflag:$0x6], $0x80, s9, s9, $0xb8;
	[tilespmem:$0x10400] =	vst v63  }
0x1c: {  	s14 =	simm.s32 $0xC400;
	s15 =	simm.s32 $0x3;
	s13 =	sadd.s32 $0x1800, s3  }
0x1d: {  	[tilespmem:s14], [sflag:$0x4] =	stream.linear.gather [hbm4b:s13+s2], $0x4000, $0x38;
	[tilespmem:$0x10400] =	vst v63  }
0x1e: {  	_ =	swait.ge [sflag:s15], $0x4000  }
0x1f: {  	[sflag:s15] =	ssyncset.done $0x0  }
0x20: {  	s16 =	simm.s32 $0x100;
	s17 =	simm.s32 $0x5;
	[sflag:s15] =	ssyncadd.s32 $0xFFFFC000  }
0x21: {  	[hbm4b:s8+s9] =	stream.indirect.scatter [tilespmem:s11], [sflag:$0x7], $0x80, s16, s9, $0xb8;
	[tilespmem:$0x10400] =	vst v63  }
0x22: {  	_ =	swait.ge [sflag:s17], $0x4000  }
0x23: {  	[sflag:s17] =	ssyncset.done $0x0  }
0x24: {  	s19 =	simm.s32 $0x4;
	s18 =	sadd.s32 $0x2000, s3;
	[sflag:s17] =	ssyncadd.s32 $0xFFFFC000  }
0x25: {  	[tilespmem:s5], [sflag:$0x1] =	stream.linear.gather [hbm4b:s18+s2], $0x4000, $0x38;
	[tilespmem:$0x10400] =	vst v63  }
0x26: {  	_ =	swait.ge [sflag:s19], $0x4000  }
0x27: {  	[sflag:s19] =	ssyncset.done $0x0  }
0x28: {  	s20 =	simm.s32 $0x180;
	s21 =	simm.s32 $0x6;
	[sflag:s19] =	ssyncadd.s32 $0xFFFFC000  }
0x29: {  	[hbm4b:s8+s9] =	stream.indirect.scatter [tilespmem:s14], [sflag:$0x8], $0x80, s20, s9, $0xb8;
	[tilespmem:$0x10400] =	vst v63  }
0x2a: {  	_ =	swait.ge [sflag:s21], $0x4000  }
0x2b: {  	[sflag:s21] =	ssyncset.done $0x0  }
0x2c: {  	s22 =	sadd.s32 $0x2800, s3;
	[sflag:s21] =	ssyncadd.s32 $0xFFFFC000  }
0x2d: {  	[tilespmem:s6], [sflag:$0x2] =	stream.linear.gather [hbm4b:s22+s2], $0x4000, $0x38;
	[tilespmem:$0x10400] =	vst v63  }
0x2e: {  	_ =	swait.ge [sflag:s7], $0x4000  }
0x2f: {  	[sflag:s7] =	ssyncset.done $0x0  }
0x30: {  	s23 =	simm.s32 $0x200;
	s24 =	simm.s32 $0x7;
	[sflag:s7] =	ssyncadd.s32 $0xFFFFC000  }
0x31: {  	[hbm4b:s8+s9] =	stream.indirect.scatter [tilespmem:s5], [sflag:$0x5], $0x80, s23, s9, $0xb8;
	[tilespmem:$0x10400] =	vst v63  }
0x32: {  	_ =	swait.ge [sflag:s24], $0x4000  }
0x33: {  	[sflag:s24] =	ssyncset.done $0x0  }
0x34: {  	s25 =	sadd.s32 $0x3000, s3;
	[sflag:s24] =	ssyncadd.s32 $0xFFFFC000  }
0x35: {  	[tilespmem:s11], [sflag:$0x3] =	stream.linear.gather [hbm4b:s25+s2], $0x4000, $0x38;
	[tilespmem:$0x10400] =	vst v63  }
0x36: {  	_ =	swait.ge [sflag:s12], $0x4000  }
0x37: {  	[sflag:s12] =	ssyncset.done $0x0  }
0x38: {  	s28 =	simm.s32 $0x280;
	s26 =	simm.s32 $0x8;
	[sflag:s12] =	ssyncadd.s32 $0xFFFFC000  }
0x39: {  	[hbm4b:s8+s9] =	stream.indirect.scatter [tilespmem:s6], [sflag:$0x6], $0x80, s28, s9, $0xb8;
	[tilespmem:$0x10400] =	vst v63  }
0x3a: {  	_ =	swait.ge [sflag:s26], $0x4000  }
0x3b: {  	[sflag:s26] =	ssyncset.done $0x0  }
0x3c: {  	s29 =	sadd.s32 $0x3800, s3;
	[sflag:s26] =	ssyncadd.s32 $0xFFFFC000  }
0x3d: {  	[tilespmem:s14], [sflag:$0x4] =	stream.linear.gather [hbm4b:s29+s2], $0x4000, $0x38;
	[tilespmem:$0x10400] =	vst v63  }
0x3e: {  	_ =	swait.ge [sflag:s15], $0x4000  }
0x3f: {  	[sflag:s15] =	ssyncset.done $0x0  }
0x40: {  	s30 =	simm.s32 $0x300;
	[sflag:s15] =	ssyncadd.s32 $0xFFFFC000  }
0x41: {  	[hbm4b:s8+s9] =	stream.indirect.scatter [tilespmem:s11], [sflag:$0x7], $0x80, s30, s9, $0xb8;
	[tilespmem:$0x10400] =	vst v63  }
0x42: {  	_ =	swait.ge [sflag:s19], $0x4000  }
0x43: {  	[sflag:s19] =	ssyncset.done $0x0  }
0x44: {  	s31 =	simm.s32 $0x380;
	[sflag:s19] =	ssyncadd.s32 $0xFFFFC000  }
0x45: {  	[hbm4b:s8+s9] =	stream.indirect.scatter [tilespmem:s14], [sflag:$0x8], $0x80, s31, s9, $0xb8;
	[tilespmem:$0x10400] =	vst v63  }
0x46: {  	s1 =	ssub.s32 $0x2, s1;
	_ =	swait.ge [sflag:s17], $0x4000  }
0x47: {  	s0 =	sshrl.u32 s1, $0x1;
	[sflag:s17] =	ssyncset.done $0x0  }
0x48: {  	s0 =	ssub.s32 s1, s0;
	[sflag:s17] =	ssyncadd.s32 $0xFFFFC000  }
0x49: {  	s0 =	smax.u32 s0, $0x1;
	_ =	swait.ge [sflag:s21], $0x4000  }
0x4a: {  	p0 =	sne.s32 s0, $0x1;
	[sflag:s21] =	ssyncset.done $0x0  }
.Ltmp0:
0x4b: {  	[sflag:s21] =	ssyncadd.s32 $0xFFFFC000;
	(pc) =	sbr.rel @!p0 .LBB2_2-.Ltmp0, $4  }
0x4c: {  	_ =	swait.ge [sflag:s24], $0x4000  }
0x4d: {  	[sflag:s24] =	ssyncset.done $0x0  }
0x4e: {  	[sflag:s24] =	ssyncadd.s32 $0xFFFFC000  }
0x4f: {  	s1 =	sadd.s32 $0xFFFFFFFF, s0;
	_ =	swait.ge [sflag:s26], $0x4000  }
.LBB2_1:
0x50: {  	[sflag:s26] =	ssyncset.done $0x0  }
0x51: {  	s0 =	rddreg [dreg:$0x3];
	[sflag:s26] =	ssyncadd.s32 $0xFFFFC000  }
0x52: {  	[tilespmem:s2], [sflag:$0x9] =	stream.linear.gather [hbm4b:s0+s2], $0x400, $0x38;
	[tilespmem:$0x10400] =	vst v63  }
0x53: {  	_ =	swait.ge [sflag:s4], $0x400  }
0x54: {  	[sflag:s4] =	ssyncset.done $0x0  }
0x55: {  	[sflag:s4] =	ssyncadd.s32 $0xFFFFFC00  }
0x56: {  	[tilespmem:s5], [sflag:$0x1] =	stream.linear.gather [hbm4b:s3+s2], $0x4000, $0x38;
	[tilespmem:$0x10400] =	vst v63  }
0x57: {  	s0 =	rddreg [dreg:$0x4]  }
0x58: {  	[tilespmem:s6], [sflag:$0x2] =	stream.linear.gather [hbm4b:s0+s2], $0x4000, $0x38;
	[tilespmem:$0x10400] =	vst v63  }
0x59: {  	_ =	swait.ge [sflag:s7], $0x4000  }
0x5a: {  	[sflag:s7] =	ssyncset.done $0x0  }
0x5b: {  	[sflag:s7] =	ssyncadd.s32 $0xFFFFC000  }
0x5c: {  	[hbm4b:s8+s9] =	stream.indirect.scatter [tilespmem:s5], [sflag:$0x5], $0x80, s2, s9, $0xb8;
	[tilespmem:$0x10400] =	vst v63  }
0x5d: {  	_ = 	snop  }
0x5e: {  	[tilespmem:s11], [sflag:$0x3] =	stream.linear.gather [hbm4b:s10+s2], $0x4000, $0x38;
	[tilespmem:$0x10400] =	vst v63  }
0x5f: {  	_ =	swait.ge [sflag:s12], $0x4000  }
0x60: {  	[sflag:s12] =	ssyncset.done $0x0  }
0x61: {  	[sflag:s12] =	ssyncadd.s32 $0xFFFFC000  }
0x62: {  	[hbm4b:s8+s9] =	stream.indirect.scatter [tilespmem:s6], [sflag:$0x6], $0x80, s9, s9, $0xb8;
	[tilespmem:$0x10400] =	vst v63  }
0x63: {  	_ = 	snop  }
0x64: {  	[tilespmem:s14], [sflag:$0x4] =	stream.linear.gather [hbm4b:s13+s2], $0x4000, $0x38;
	[tilespmem:$0x10400] =	vst v63  }
0x65: {  	_ =	swait.ge [sflag:s15], $0x4000  }
0x66: {  	[sflag:s15] =	ssyncset.done $0x0  }
0x67: {  	[sflag:s15] =	ssyncadd.s32 $0xFFFFC000  }
0x68: {  	[hbm4b:s8+s9] =	stream.indirect.scatter [tilespmem:s11], [sflag:$0x7], $0x80, s16, s9, $0xb8;
	[tilespmem:$0x10400] =	vst v63  }
0x69: {  	_ =	swait.ge [sflag:s17], $0x4000  }
0x6a: {  	[sflag:s17] =	ssyncset.done $0x0  }
0x6b: {  	[sflag:s17] =	ssyncadd.s32 $0xFFFFC000  }
0x6c: {  	[tilespmem:s5], [sflag:$0x1] =	stream.linear.gather [hbm4b:s18+s2], $0x4000, $0x38;
	[tilespmem:$0x10400] =	vst v63  }
0x6d: {  	_ =	swait.ge [sflag:s19], $0x4000  }
0x6e: {  	[sflag:s19] =	ssyncset.done $0x0  }
0x6f: {  	[sflag:s19] =	ssyncadd.s32 $0xFFFFC000  }
0x70: {  	[hbm4b:s8+s9] =	stream.indirect.scatter [tilespmem:s14], [sflag:$0x8], $0x80, s20, s9, $0xb8;
	[tilespmem:$0x10400] =	vst v63  }
0x71: {  	_ =	swait.ge [sflag:s21], $0x4000  }
0x72: {  	[sflag:s21] =	ssyncset.done $0x0  }
0x73: {  	[sflag:s21] =	ssyncadd.s32 $0xFFFFC000  }
0x74: {  	[tilespmem:s6], [sflag:$0x2] =	stream.linear.gather [hbm4b:s22+s2], $0x4000, $0x38;
	[tilespmem:$0x10400] =	vst v63  }
0x75: {  	_ =	swait.ge [sflag:s7], $0x4000  }
0x76: {  	[sflag:s7] =	ssyncset.done $0x0  }
0x77: {  	[sflag:s7] =	ssyncadd.s32 $0xFFFFC000  }
0x78: {  	[hbm4b:s8+s9] =	stream.indirect.scatter [tilespmem:s5], [sflag:$0x5], $0x80, s23, s9, $0xb8;
	[tilespmem:$0x10400] =	vst v63  }
0x79: {  	_ =	swait.ge [sflag:s24], $0x4000  }
0x7a: {  	[sflag:s24] =	ssyncset.done $0x0  }
0x7b: {  	[sflag:s24] =	ssyncadd.s32 $0xFFFFC000  }
0x7c: {  	[tilespmem:s11], [sflag:$0x3] =	stream.linear.gather [hbm4b:s25+s2], $0x4000, $0x38;
	[tilespmem:$0x10400] =	vst v63  }
0x7d: {  	_ =	swait.ge [sflag:s12], $0x4000  }
0x7e: {  	[sflag:s12] =	ssyncset.done $0x0  }
0x7f: {  	[sflag:s12] =	ssyncadd.s32 $0xFFFFC000  }
0x80: {  	[hbm4b:s8+s9] =	stream.indirect.scatter [tilespmem:s6], [sflag:$0x6], $0x80, s28, s9, $0xb8;
	[tilespmem:$0x10400] =	vst v63  }
0x81: {  	_ =	swait.ge [sflag:s26], $0x4000  }
0x82: {  	[sflag:s26] =	ssyncset.done $0x0  }
0x83: {  	[sflag:s26] =	ssyncadd.s32 $0xFFFFC000  }
0x84: {  	[tilespmem:s14], [sflag:$0x4] =	stream.linear.gather [hbm4b:s29+s2], $0x4000, $0x38;
	[tilespmem:$0x10400] =	vst v63  }
0x85: {  	_ =	swait.ge [sflag:s15], $0x4000  }
0x86: {  	[sflag:s15] =	ssyncset.done $0x0  }
0x87: {  	[sflag:s15] =	ssyncadd.s32 $0xFFFFC000  }
0x88: {  	[hbm4b:s8+s9] =	stream.indirect.scatter [tilespmem:s11], [sflag:$0x7], $0x80, s30, s9, $0xb8;
	[tilespmem:$0x10400] =	vst v63  }
0x89: {  	_ =	swait.ge [sflag:s19], $0x4000  }
0x8a: {  	[sflag:s19] =	ssyncset.done $0x0  }
0x8b: {  	[sflag:s19] =	ssyncadd.s32 $0xFFFFC000  }
0x8c: {  	[hbm4b:s8+s9] =	stream.indirect.scatter [tilespmem:s14], [sflag:$0x8], $0x80, s31, s9, $0xb8;
	[tilespmem:$0x10400] =	vst v63  }
0x8d: {  	_ =	swait.ge [sflag:s17], $0x4000  }
0x8e: {  	[sflag:s17] =	ssyncset.done $0x0  }
0x8f: {  	[sflag:s17] =	ssyncadd.s32 $0xFFFFC000  }
0x90: {  	_ =	swait.ge [sflag:s21], $0x4000  }
0x91: {  	p0 =	sne.s32 s1, $0x1;
	[sflag:s21] =	ssyncset.done $0x0  }
.Ltmp1:
0x92: {  	[sflag:s21] =	ssyncadd.s32 $0xFFFFC000;
	(pc) =	sbr.rel @p0 .LBB2_1-.Ltmp1, $4  }
0x93: {  	_ =	swait.ge [sflag:s24], $0x4000  }
0x94: {  	[sflag:s24] =	ssyncset.done $0x0  }
0x95: {  	[sflag:s24] =	ssyncadd.s32 $0xFFFFC000  }
0x96: {  	s1 =	sadd.s32 $0xFFFFFFFF, s1;
	_ =	swait.ge [sflag:s26], $0x4000  }
.LBB2_2:
0x97: {  	[sflag:s26] =	ssyncset.done $0x0  }
0x98: {  	[sflag:s26] =	ssyncadd.s32 $0xFFFFC000  }
0x99: {  	_ =	sfence.sel $0x180000  }
0x9a: {  	[bflag:$0x0] =	sbarrier.arrive $0xFFFF  }
0x9b: {  	_ =	strace $0x90000047  }
0x9c: {  	s0 =	stileid.u32;
	[bflag:$0x2] =	sbarrier.arrive $0xFFFF  }
0x9d: {  	p0 =	sne.s32 s0, $0x0;
	s0 =	rddreg [dreg:$0x2]  }
0x9e: {  	s0 =	sadd.s32 @!p0 $0x100000, s0  }
0x9f: {  	[sflag:s0] =	ssyncadd.tile.s32 @!p0 $0x1;
	_ =	shalt  }
.Lfunc_end2:
_tile_overlayer_lowered:
.L_overlay_start_2:
0xa0: {  	(tag) =	ssettag $0x2  }
0xa1: {  	s0 =	rddreg [dreg:$0x0];
	s2 =	stileid.u32  }
0xa2: {  	s1 =	rddreg [dreg:$0x1];
	p0 =	sne.s32 s2, $0x0  }
0xa3: {  	s3 =	rddreg [dreg:$0x2];
	[bflag:$0x3] =	sbarrier.arrive $0xFFFF;
	s2 =	simm.s32 @!p0 $0x1C09  }
0xa4: {  	[timem:s3], [sflag:s2] =	dma.local @!p0 [hbm:s0], s1  }
0xa5: {  	s0 =	simm.s32 @!p0 $0x9  }
0xa6: {  	_ =	swait.ge @!p0 [sflag:s0], s1  }
0xa7: {  	s1 =	ssub.s32 @!p0 $0x0, s1;
	[sflag:s0] =	ssyncset.done @!p0 $0x0  }
0xa8: {  	[sflag:s0] =	ssyncadd.s32 @!p0 s1  }
0xa9: {  	[bflag:$0x3] =	sbarrier.arrive $0xFFFF  }
0xaa: {  	_ =	shalt  }

// kernel: kernel.8.cloned.1.call-start
scs
__scs_entry_jumppad:
0x0: {  	(pc) =	sbr.rel $0x88, $3  }
0x1: {  	(tag) =	ssettag $0x0;
	lr =	simm.s32 $0x1  }
0x2: {  	[smem:$0x3F97] =	sst lr;
	_ =	strace $0xD0000000  }
0x3: {  	_ = 	snop  }
0x4: {  	_ = 	snop  }
0x5: {  	_ = 	snop  }
0x6: {  	_ = 	snop  }
0x7: {  	_ = 	snop  }
__scs_overlays_trampoline_lowered:
0x8: {  	[smem:$0x3FA6] =	sst s0  }
0x9: {  	[smem:$0x3FA7] =	sst s1  }
0xa: {  	[smem:$0x3FA8] =	sst s2  }
0xb: {  	[smem:$0x3FA9] =	sst s3  }
0xc: {  	[smem:$0x3FAA] =	sst s4  }
0xd: {  	[smem:$0x3FAB] =	sst s5  }
0xe: {  	[smem:$0x3FAC] =	sst s6  }
0xf: {  	[smem:$0x3FAD] =	sst s7  }
0x10: {  	[smem:$0x3FAE] =	sst s8  }
0x11: {  	[smem:$0x3FAF] =	sst s9;
	s0 =	simm.s32 @!p0 $0x0  }
0x12: {  	s1 =	sld [smem:$0x3F95];
	s0 =	simm.s32 @p0 $0x1  }
0x13: {  	[smem:$0x3FB0] =	sst s0;
	s0 =	simm.s32 @!p1 $0x0  }
0x14: {  	s2 =	sld [smem:$0x3F94];
	s0 =	simm.s32 @p1 $0x1  }
0x15: {  	[smem:$0x3FB1] =	sst s0;
	s0 =	simm.s32 @!p2 $0x0  }
0x16: {  	s3 =	sld [smem:$0x3FDB];
	s0 =	simm.s32 @p2 $0x1  }
0x17: {  	s4 =	simm.s32 $0x1BF5;
	[smem:$0x3FB3] =	sst s0  }
0x18: {  	s0 =	sld [smem:$0x3F96];
	_ =	swait.ge [sflag:s4], $0x0  }
0x19: {  	s7 =	sld [smem:$0x3F97]  }
0x1a: {  	s8 =	sadd.s32 $0xFFFFE003, lr  }
0x1b: {  	s9 =	sadd.s32 $0xFFFFFEF7, lr;
	s5 =	simm.s32 $0xFFFFFFFF;
	p2 =	slt.u32 s8, $0xFFFFF086  }
0x1c: {  	p1 =	slt.u32 s9, $0xF7A;
	s5 =	simm.s32 @!p2 $0x0  }
0x1d: {  	s5 =	simm.s32 @p1 $0x1;
	p0 =	seq.s32 s7, s2  }
0x1e: {  	s7 =	smul.u32 @!p0 $0xF7A, s2;
	p2 =	seq.s32 @!p0 s5, $0x0  }
0x1f: {  	s9 =	smul.u32 $0xF7A, s1;
	s8 =	simm.s32 @!p0 $0x1BF5;
	p2 =	por !p2, p0  }
0x20: {  	[sflag:s8] =	ssyncset.s32 @!p0 $0xFFFFF086;
	s6 =	sadd.s32 @!p0 s3, s7;
	s7 =	simm.s32 @!p0 $0x108  }
0x21: {  	s3 =	sadd.s32 s3, s9;
	s6 =	sadd.s32 @!p0 $0x88, s6;
	s7 =	simm.s32 @p2 $0x1082  }
0x22: {  	[simem:s7], [sflag:s8] =	dma.local @!p0 [hbm:s6], $0xF7A  }
0x23: {  	s9 =	sor.u32 $0xD0000000, s2;
	s6 =	simm.s32 $0x108;
	_ =	swait.ge @!p0 [sflag:s8], $0x0  }
0x24: {  	s3 =	sadd.s32 $0x88, s3;
	s6 =	simm.s32 @!p1 $0x1082;
	[sflag:s4] =	ssyncset.s32 $0xFFFFF086  }
0x25: {  	[simem:s6], [sflag:s4] =	dma.local [hbm:s3], $0xF7A  }
0x26: {  	[smem:$0x3F97] =	sst s1;
	(tag) =	ssettag s2;
	_ =	strace s9  }
0x27: {  	s1 =	sld [smem:$0x3FA7]  }
0x28: {  	s2 =	sld [smem:$0x3FA8]  }
0x29: {  	s4 =	sld [smem:$0x3FAA]  }
0x2a: {  	p0 =	seq.s32 s5, $0x0;
	s5 =	sld [smem:$0x3FAB]  }
0x2b: {  	s6 =	sld [smem:$0x3FAC]  }
0x2c: {  	s7 =	sld [smem:$0x3FAD]  }
0x2d: {  	s3 =	simm.s32 $0x108;
	s8 =	sld [smem:$0x3FAE]  }
0x2e: {  	s3 =	simm.s32 @!p0 $0x1082;
	s9 =	sld [smem:$0x3FAF]  }
0x2f: {  	lr =	sadd.s32 s0, s3;
	s0 =	sld [smem:$0x3FA6]  }
0x30: {  	s3 =	sld [smem:$0x3FA9]  }
0x31: {  	[smem:$0x3FB2] =	sst s10  }
0x32: {  	s10 =	sld [smem:$0x3FB0];
	_ =	sdelay $0x3  }
0x33: {  	p0 =	seq.s32 s10, $0x1;
	s10 =	sld [smem:$0x3FB2];
	_ =	sdelay $0x3  }
0x34: {  	[smem:$0x3FB2] =	sst s10  }
0x35: {  	s10 =	sld [smem:$0x3FB1];
	_ =	sdelay $0x3  }
0x36: {  	p1 =	seq.s32 s10, $0x1;
	s10 =	sld [smem:$0x3FB2];
	_ =	sdelay $0x3  }
0x37: {  	[smem:$0x3FB2] =	sst s10  }
0x38: {  	s10 =	sld [smem:$0x3FB3]  }
0x39: {  	_ = 	snop;
	(pc) =	sbr.ind lr, $3  }
0x3a: {  	_ = 	snop  }
0x3b: {  	_ = 	snop  }
0x3c: {  	p2 =	seq.s32 s10, $0x1;
	s10 =	sld [smem:$0x3FB2]  }
0x3d: {  	_ =	shalt  }
0x3e: {  	_ =	shalt  }
0x3f: {  	_ =	shalt  }
0x40: {  	_ =	shalt  }
0x41: {  	_ =	shalt  }
0x42: {  	_ =	shalt  }
0x43: {  	_ =	shalt  }
0x44: {  	_ =	shalt  }
0x45: {  	_ =	shalt  }
0x46: {  	_ =	shalt  }
0x47: {  	_ =	shalt  }
0x48: {  	_ =	shalt  }
0x49: {  	_ =	shalt  }
0x4a: {  	_ =	shalt  }
0x4b: {  	_ =	shalt  }
0x4c: {  	_ =	shalt  }
0x4d: {  	_ =	shalt  }
0x4e: {  	_ =	shalt  }
0x4f: {  	_ =	shalt  }
0x50: {  	_ =	shalt  }
0x51: {  	_ =	shalt  }
0x52: {  	_ =	shalt  }
0x53: {  	_ =	shalt  }
0x54: {  	_ =	shalt  }
0x55: {  	_ =	shalt  }
0x56: {  	_ =	shalt  }
0x57: {  	_ =	shalt  }
0x58: {  	_ =	shalt  }
0x59: {  	_ =	shalt  }
0x5a: {  	_ =	shalt  }
0x5b: {  	_ =	shalt  }
0x5c: {  	_ =	shalt  }
0x5d: {  	_ =	shalt  }
0x5e: {  	_ =	shalt  }
0x5f: {  	_ =	shalt  }
0x60: {  	_ =	shalt  }
0x61: {  	_ =	shalt  }
0x62: {  	_ =	shalt  }
0x63: {  	_ =	shalt  }
0x64: {  	_ =	shalt  }
0x65: {  	_ =	shalt  }
0x66: {  	_ =	shalt  }
0x67: {  	_ =	shalt  }
0x68: {  	_ =	shalt  }
0x69: {  	_ =	shalt  }
0x6a: {  	_ =	shalt  }
0x6b: {  	_ =	shalt  }
0x6c: {  	_ =	shalt  }
0x6d: {  	_ =	shalt  }
0x6e: {  	_ =	shalt  }
0x6f: {  	_ =	shalt  }
0x70: {  	_ =	shalt  }
0x71: {  	_ =	shalt  }
0x72: {  	_ =	shalt  }
0x73: {  	_ =	shalt  }
0x74: {  	_ =	shalt  }
0x75: {  	_ =	shalt  }
0x76: {  	_ =	shalt  }
0x77: {  	_ =	shalt  }
0x78: {  	_ =	shalt  }
0x79: {  	_ =	shalt  }
0x7a: {  	_ =	shalt  }
0x7b: {  	_ =	shalt  }
0x7c: {  	_ =	shalt  }
0x7d: {  	_ =	shalt  }
0x7e: {  	_ =	shalt  }
0x7f: {  	_ =	shalt  }
0x80: {  	_ =	shalt  }
0x81: {  	_ =	shalt  }
0x82: {  	_ =	shalt  }
0x83: {  	_ =	shalt  }
0x84: {  	_ =	shalt  }
0x85: {  	_ =	shalt  }
0x86: {  	_ =	shalt  }
0x87: {  	_ =	shalt  }
.Lfunc_end0:
.L_simem_size_0:
called_computation.1_lowered:
.L_overlay_start_0:
0x88: {  	s2 =	sld [smem:$0x3FD9]  }
0x89: {  	s3 =	sld [smem:$0x3FFE];
	_ =	sdelay $0x1  }
0x8a: {  	s1 =	srdreg.scid  }
0x8b: {  	s0 =	sand.u32 $0x1, s1  }
0x8c: {  	s17 =	sshll.u32 s0, $0xA;
	s2 =	sadd.s32 s3, s2  }
0x8d: {  	s2 =	sadd.s32 s2, s17  }
0x8e: {  	[smem:$0x3FBE] =	sst s2  }
0x8f: {  	_ = 	snop  }
0x90: {  	s2 =	sld [smem:$0x3FD0];
	(tm) =	ssettm $0x1  }
0x91: {  	s18 =	sld [smem:$0x3FFB];
	_ =	sdelay $0x3  }
0x92: {  	_ =	strace s18  }
0x93: {  	s3 =	sld [smem:$0x3FFC];
	_ =	sdelay $0x3  }
0x94: {  	_ =	strace s3  }
0x95: {  	s3 =	sld [smem:$0x3FFD];
	_ =	sdelay $0x3  }
0x96: {  	_ =	strace s3  }
0x97: {  	_ =	strace $0x8FFFFFFF  }
0x98: {  	s19 =	sld [smem:$0x3FDB];
	_ =	sdelay $0x1  }
0x99: {  	s4 =	simm.s32 $_scs_section_size  }
0x9a: {  	s5 =	simm.s32 $_size__tile_overlayer_lowered;
	s6 =	simm.s32 $_tile_overlayer_lowered  }
0x9b: {  	s22 =	simm.s32 $0x1BFF;
	s21 =	sshll.u32 s6, $0x1;
	s3 =	sadd.s32 s4, s19  }
0x9c: {  	s7 =	simm.s32 $0x0;
	s20 =	sshll.u32 s5, $0x1;
	s5 =	sadd.s32 s21, s3  }
0x9d: {  	[timem:s7], [sflag:s22] =	dma.local [hbm:s5], s20  }
0x9e: {  	_ =	swait.ge [sflag:s22], s20  }
0x9f: {  	s4 =	ssub.s32 $0x0, s20;
	[sflag:s22] =	ssyncset.done $0x0  }
0xa0: {  	[sflag:s22] =	ssyncadd.s32 s4;
	_ =	sdelay $0x1  }
0xa1: {  	s23 =	simm.s32 $0x1B8B  }
0xa2: {  	_ =	swait.ge [sflag:s23], $0x1  }
0xa3: {  	[sflag:s23] =	ssyncset.done $0x0  }
0xa4: {  	s25 =	simm.s32 $0x1B8E;
	s24 =	sld [smem:$0x3FFE];
	[sflag:s23] =	ssyncadd.s32 $0xFFFFFFFF  }
0xa5: {  	s26 =	simm.s32 $execute0_lowered;
	[smem:$0x3FD2] =	sst s25  }
0xa6: {  	s5 =	sshll.u32 s26, $0x1;
	_ =	strace $0x80000049;
	[dreg:$0x1] =	wrdreg $0xFFFFFFFF  }
0xa7: {  	s28 =	simm.s32 $_size_execute0_lowered;
	s3 =	sadd.s32 s3, s5;
	[dreg:$0x0] =	wrdreg $0x0  }
0xa8: {  	s5 =	sshll.u32 s28, $0x1;
	[dreg:$0x2] =	wrdreg s3  }
0xa9: {  	[dreg:$0x3] =	wrdreg s5  }
0xaa: {  	[dreg:$0x4] =	wrdreg $0xC0  }
0xab: {  	_ =	task [dreg:s7], $0x5FFFF  }
0xac: {  	[dreg:$0x1] =	wrdreg $0xFFFFFFFF  }
0xad: {  	[dreg:$0x0] =	wrdreg $0x60  }
0xae: {  	[dreg:$0x2] =	wrdreg s24  }
0xaf: {  	[dreg:$0x3] =	wrdreg s2  }
0xb0: {  	[dreg:$0x4] =	wrdreg $0x9  }
0xb1: {  	_ =	task.clear_ibuf [dreg:s7], $0x5FFFF;
	_ =	strace $0x90000049  }
0xb2: {  	s29 =	simm.s32 $0x9;
	_ =	strace $0x8000004B  }
0xb3: {  	_ =	swait.ge [sflag:s29], $0x1  }
0xb4: {  	[sflag:s29] =	ssyncadd.s32 $0xFFFFFFFF  }
0xb5: {  	_ =	strace $0x9000004B  }
0xb6: {  	_ =	sfence  }
0xb7: {  	s30 =	sld [smem:$0x0];
	_ =	sdelay $0x2  }
0xb8: {  	s31 =	sshll.u32 s1, $0xD;
	s1 =	sshrl.u32 s1, $0x2  }
0xb9: {  	s3 =	sand.u32 $0x4000, s31;
	s1 =	sadd.s32 s1, s30  }
0xba: {  	s0 =	sor.u32 s3, s0;
	s1 =	sshll.u32 s1, $0x11  }
0xbb: {  	s0 =	sor.u32 s1, s0  }
0xbc: {  	s0 =	sadd.s32 $0x8F2B, s0  }
0xbd: {  	[sflag:s0] =	ssyncadd.remote.s32 $0x1  }
0xbe: {  	_ =	sfence.sel $0xFFFF  }
0xbf: {  	[dreg:$0x0] =	wrdreg $0xFFFFFFFF;
	(pc) =	sbr.abs _section_cstart, $3  }
0xc0: {  	[dreg:$0x1] =	wrdreg $0xFFFFFFFF  }
0xc1: {  	_ =	task.clear_ibuf [dreg:s7], $0x2FFFF;
	_ =	strace $0x9FFFFFFF  }
0xc2: {  	(tm) =	ssettm $0x7FFFFFFF  }
0xc3: {  	_ =	shalt  }
tec
execute0_lowered:
.L_overlay_start_1:
0x0: {  	(tag) =	ssettag $0x1  }
0x1: {  	s3 =	rddreg [dreg:$0x0]  }
0x2: {  	s5 =	rddreg [dreg:$0x1];
	s2 =	srdreg.scid  }
0x3: {  	s0 =	rddreg [dreg:$0x2];
	s1 =	stileid.u32;
	s9 =	simm.s32 $0xA400  }
0x4: {  	s10 =	simm.s32 $0x0;
	s4 =	sand.u32 $0x1, s2;
	s2 =	simm.s32 $0x0  }
0x5: {  	s6 =	sshll.u32 s1, $0x8;
	s7 =	sshll.u32 s4, $0x7;
	[smem:$0x7FF] =	sst s2  }
0x6: {  	s4 =	ssub.s32 $0x2, s4;
	s6 =	sor.u32 s7, s6;
	_ =	strace $0x8000004A  }
0x7: {  	s8 =	sshrl.u32 s4, $0x1;
	s7 =	sadd.s32 s6, s3;
	s3 =	sadd.s32 $0x1600, s3  }
0x8: {  	s8 =	ssub.s32 s4, s8;
	s5 =	sadd.s32 s5, s6;
	s4 =	sadd.s32 $0x600, s7  }
0x9: {  	s6 =	smax.u32 s8, $0x1;
	s7 =	simm.s32 $0x1;
	s8 =	simm.s32 $0xA000  }
.LBB2_1:
0xa: {  	[tilespmem:s2], [sflag:$0x1] =	stream.linear.gather [hbm4b:s3+s2], $0xA000, $0x38;
	[tilespmem:$0xA800] =	vst v63  }
0xb: {  	_ =	swait.ge [sflag:s7], $0xA000  }
0xc: {  	[sflag:s7] =	ssyncset.done $0x0  }
0xd: {  	[sflag:s7] =	ssyncadd.s32 $0xFFFF6000  }
0xe: {  	[tilespmem:s8], [sflag:$0x1] =	stream.linear.gather [hbm4b:s4+s2], $0x400, $0x38;
	[tilespmem:$0xA800] =	vst v63  }
0xf: {  	_ =	swait.ge [sflag:s7], $0x400  }
0x10: {  	[sflag:s7] =	ssyncset.done $0x0  }
0x11: {  	s11 =	simm.s32 $0x0;
	[sflag:s7] =	ssyncadd.s32 $0xFFFFFC00  }
0x12: {  	v0 =	vld [tilespmem:s11+$0xA000];
	_ =	sdelay $0x7  }
0x13: {  	s12 =	simm.s32 $0x10;
	s13 =	simm.s32 $0x80;
	v0 =	vld.idx.msk [tilespmem:v0+s2+$0x0], $0xffff  }
.LBB2_2:
0x14: {  	p0 =	sne.s32 s13, $0xFC0;
	v1 =	vld [tilespmem:s12+$0xA000];
	_ =	sdelay $0x3  }
.Ltmp0:
0x15: {  	(pc) =	sbr.rel @p0 .LBB2_2-.Ltmp0, $2  }
0x16: {  	[tilespmem:s11+$0xA400] =	vst v0;
	s11 =	smov.u32 s12;
	_ =	sdelay $0x2  }
0x17: {  	s12 =	sshra.s32 s13, $0x2;
	s13 =	sadd.s32 $0x40, s13;
	v0 =	vld.idx.msk [tilespmem:v1+s2+$0x0], $0xffff  }
0x18: {  	v1 =	vld [tilespmem:s12+$0xA000];
	_ =	sdelay $0x6  }
0x19: {  	[tilespmem:s11+$0xA400] =	vst v0  }
0x1a: {  	v0 =	vld.idx.msk [tilespmem:v1+s2+$0x0], $0xffff;
	_ =	sdelay $0x2  }
0x1b: {  	s10 =	sadd.s32 $0x1, s10  }
0x1c: {  	p0 =	sne.s32 s10, s6  }
.Ltmp1:
0x1d: {  	[tilespmem:s12+$0xA400] =	vst v0;
	(pc) =	sbr.rel @p0 .LBB2_1-.Ltmp1, $4  }
0x1e: {  	[hbm4b:s5+s2] =	stream.linear.scatter [tilespmem:s9], [sflag:$0x1], $0x400, $0x38;
	[tilespmem:$0xA800] =	vst v63  }
0x1f: {  	_ =	swait.ge [sflag:s7], $0x400  }
0x20: {  	[sflag:s7] =	ssyncset.done $0x0  }
0x21: {  	[sflag:s7] =	ssyncadd.s32 $0xFFFFFC00  }
0x22: {  	_ =	sfence.sel $0x180000  }
0x23: {  	[bflag:$0x0] =	sbarrier.arrive $0xFFFF  }
0x24: {  	p0 =	sne.s32 s1, $0x0;
	_ =	strace $0x9000004A  }
0x25: {  	s0 =	sadd.s32 @!p0 $0x100000, s0;
	[bflag:$0x2] =	sbarrier.arrive $0xFFFF  }
0x26: {  	[sflag:s0] =	ssyncadd.tile.s32 @!p0 $0x1;
	_ =	shalt  }
.Lfunc_end2:
_tile_overlayer_lowered:
.L_overlay_start_2:
0x27: {  	(tag) =	ssettag $0x2  }
0x28: {  	s0 =	rddreg [dreg:$0x0];
	s2 =	stileid.u32  }
0x29: {  	s1 =	rddreg [dreg:$0x1];
	p0 =	sne.s32 s2, $0x0  }
0x2a: {  	s3 =	rddreg [dreg:$0x2];
	[bflag:$0x3] =	sbarrier.arrive $0xFFFF;
	s2 =	simm.s32 @!p0 $0x1C01  }
0x2b: {  	[timem:s3], [sflag:s2] =	dma.local @!p0 [hbm:s0], s1  }
0x2c: {  	s0 =	simm.s32 @!p0 $0x1  }
0x2d: {  	_ =	swait.ge @!p0 [sflag:s0], s1  }
0x2e: {  	s1 =	ssub.s32 @!p0 $0x0, s1;
	[sflag:s0] =	ssyncset.done @!p0 $0x0  }
0x2f: {  	[sflag:s0] =	ssyncadd.s32 @!p0 s1  }
0x30: {  	[bflag:$0x3] =	sbarrier.arrive $0xFFFF  }
0x31: {  	_ =	shalt  }

</sc_bundles>
